<compile_context>
chip_gen: v7x
topology: tpu7x:2x2x1
jax: 0.10.2.dev20260603
libtpu: 0.0.44.dev20260713+nightly
codegen_flags: <defaults>
</compile_context>

<pallas_src>
import functools

import jax
import jax.numpy as jnp
from jax import lax
from jax.experimental import pallas as pl
from jax.experimental.pallas import tpu as pltpu
from jax.experimental.pallas import tpu_sc as plsc

BS, L, DIM = 4, 576, 768
INNER = DIM * 2
G, K, VD = 2, 320, 128
T = BS * L
R = T * G
TM = 768
NB = T // TM


def _mlp_argmax_body(x_ref, w1_ref, b1_ref, w2_ref, b2_ref, g_ref, idx_ref):
    h = jnp.dot(x_ref[...], w1_ref[...], preferred_element_type=jnp.float32)
    h = jax.nn.gelu(h + b1_ref[...])
    logits = jnp.dot(h, w2_ref[...], preferred_element_type=jnp.float32)
    s = logits + b2_ref[...]
    gum = g_ref[...].T.reshape(TM, G, K)
    for g in range(G):
        sg = s[:, g * K:(g + 1) * K] + gum[:, g, :]
        m = jnp.max(sg, axis=1, keepdims=True)
        iota = lax.broadcasted_iota(jnp.int32, sg.shape, 1)
        idx_ref[0, g, :] = jnp.min(jnp.where(sg == m, iota, K), axis=1)


NC, NS = 2, 16
NW = NC * NS
NU = R // 128


def _gather_unit(u, table_hbm, idx4_hbm, out_hbm, tmp_v, qidx_v, rows_v, sem):
    s = (u * 43691) >> 19
    tc = (u - 12 * s) >> 1
    h = u & 1
    pltpu.sync_copy(idx4_hbm.at[s, tc, 0, pl.ds(h * 64, 64)],
                    tmp_v.at[pl.ds(0, 64)])
    pltpu.sync_copy(idx4_hbm.at[s, tc, 1, pl.ds(h * 64, 64)],
                    tmp_v.at[pl.ds(64, 64)])
    lane = lax.broadcasted_iota(jnp.int32, (16,), 0)
    for c in range(8):
        a = tmp_v[pl.ds(8 * c, 16)]
        b = tmp_v[pl.ds(56 + 8 * c, 16)]
        qidx_v[pl.ds(c * 16, 16)] = jnp.where(lane < 8, a, b)
    pltpu.async_copy(table_hbm.at[qidx_v], rows_v, sem).wait()
    pltpu.sync_copy(rows_v, out_hbm.at[pl.ds(u * 128, 128)])


def _gather_body(table_hbm, idx4_hbm, out_hbm, tmp_v, qidx_v, rows_v, sem):
    wid = lax.axis_index("s") * NC + lax.axis_index("c")
    _gather_unit(wid, table_hbm, idx4_hbm, out_hbm,
                 tmp_v, qidx_v, rows_v, sem)

    @pl.when(wid + NW < NU)
    def _():
        _gather_unit(wid + NW, table_hbm, idx4_hbm, out_hbm,
                     tmp_v, qidx_v, rows_v, sem)


@functools.cache
def _sc_gather():
    return functools.partial(
        pl.kernel,
        mesh=plsc.VectorSubcoreMesh(core_axis_name="c", subcore_axis_name="s"),
        out_type=jax.ShapeDtypeStruct((R, VD), jnp.float32),
        scratch_types=[
            pltpu.VMEM((128,), jnp.int32),
            pltpu.VMEM((128,), jnp.int32),
            pltpu.VMEM((128, VD), jnp.float32),
            pltpu.SemaphoreType.DMA,
        ],
    )(_gather_body)


def kernel(x, W1, b1, W2, b2, embeddings, gumbels):
    x2 = x.reshape(T, DIM)
    idxp = pl.pallas_call(
        _mlp_argmax_body,
        grid=(NB,),
        in_specs=[
            pl.BlockSpec((TM, DIM), lambda i: (i, 0)),
            pl.BlockSpec((DIM, INNER), lambda i: (0, 0)),
            pl.BlockSpec((INNER,), lambda i: (0,)),
            pl.BlockSpec((INNER, G * K), lambda i: (0, 0)),
            pl.BlockSpec((G * K,), lambda i: (0,)),
            pl.BlockSpec((K, G * TM), lambda i: (0, i)),
        ],
        out_specs=pl.BlockSpec((1, 8, TM), lambda i: (i, 0, 0)),
        out_shape=jax.ShapeDtypeStruct((NB, 8, TM), jnp.int32),
    )(x2, W1, b1, W2, b2, gumbels.T)
    table = embeddings.reshape(K, VD)
    idx4 = idxp.reshape(NB, 8, TM // 128, 128).transpose(0, 2, 1, 3)
    out = _sc_gather()(table, idx4)
    return (out.reshape(T // 8, G, 8, VD)
               .transpose(0, 2, 1, 3)
               .reshape(BS, L, G * VD))

# --- scband reference (transcript-rebuilt; emitter-appended) ---
"""Pipeline reference for scband-gumbel-quantizer-65884798320941 (READ-ONLY COPY).

The authoritative reference and input builder live on the scoring server;
editing this copy changes nothing except your own understanding.
"""

import jax, jax.numpy as jnp
import numpy as np

BS, L, DIM = 4, 576, 768
CODE_DIM = 256
G = 2
K = 320
VAR_DIM = CODE_DIM // G  # 128
INNER = DIM * 2  # projFactor=2 -> 1536
TAU = 2.0  # max(maxTemp * decay**0, minTemp) with numUpdates=0


def setup_inputs(seed: int = 0) -> dict:
    key = jax.random.key(seed)
    ks = jax.random.split(key, 7)
    x = jax.random.normal(ks[0], (BS, L, DIM), dtype=jnp.float32)
    W1 = jax.random.normal(ks[1], (DIM, INNER), dtype=jnp.float32) * 0.02
    b1 = jnp.zeros((INNER,), dtype=jnp.float32)
    W2 = jax.random.normal(ks[2], (INNER, G * K), dtype=jnp.float32) * 0.02
    b2 = jnp.zeros((G * K,), dtype=jnp.float32)
    # combineGroups=True -> single shared codebook of shape [1, numCodes, varDim]
    embeddings = jax.random.uniform(ks[3], (1, K, VAR_DIM), dtype=jnp.float32)
    # gumbel noise = -log(Exp(1)) ; equivalently -log(-log(U))
    u = jax.random.uniform(ks[4], (BS * L * G, K), dtype=jnp.float32, minval=1e-9, maxval=1.0)
    gumbels = -jnp.log(-jnp.log(u))
    return {"x": x, "W1": W1, "b1": b1, "W2": W2, "b2": b2, "embeddings": embeddings, "gumbels": gumbels}


def reference(x, W1, b1, W2, b2, embeddings, gumbels):
    bs, l, d = x.shape
    t = bs * l
    h = x.reshape(t, d)
    # codeProbModel: Linear(dim, inner) + GELU + Linear(inner, G*K)
    h = jax.nn.gelu(h @ W1 + b1)
    logits = (h @ W2 + b2).reshape(t * G, K)
    # training-mode gumbel-softmax straight-through (numUpdates=0 -> tau=2.0)
    g = (logits + gumbels) / TAU
    softX = jax.nn.softmax(g, axis=-1)
    idx = jnp.argmax(softX, axis=-1)
    hardX = jax.nn.one_hot(idx, K, dtype=softX.dtype)
    q = hardX + softX - jax.lax.stop_gradient(softX)
    q = q.reshape(t, G, K)
    # combineGroups -> repeat codebook across groups, then per-group weighted sum over codes
    emb = jnp.tile(embeddings, (1, G, 1)).reshape(G, K, VAR_DIM)
    out = jnp.einsum('tgk,gkd->tgd', q, emb)
    return out.reshape(bs, l, G * VAR_DIM)

if __name__ == "__main__":
    import jax
    _d = setup_inputs()
    print(jax.jit(kernel)(*tuple(_d.values())))

</pallas_src>

<mosaic_0001>
#map = affine_map<(d0, d1) -> (0, 0)>
#map1 = affine_map<(d0, d1) -> (0, 0, 0, 0)>
module attributes {stable_mosaic.version = 14 : i64} {
  func.func @_gather_body(%arg0: i32, %arg1: i32, %arg2: memref<320x128xf32, #tpu.memory_space<hbm>>, %arg3: memref<3x6x8x128xi32, #tpu.memory_space<hbm>>, %arg4: memref<4608x128xf32, #tpu.memory_space<hbm>>, %arg5: memref<128xi32, #tpu.memory_space<vmem>>, %arg6: memref<128xi32, #tpu.memory_space<vmem>>, %arg7: memref<128x128xf32, #tpu.memory_space<vmem>>, %arg8: memref<!tpu.dma_semaphore, #tpu.memory_space<semaphore_mem>>) attributes {dimension_semantics = [#tpu.dimension_semantics<core_parallel>, #tpu.dimension_semantics<subcore_parallel>], iteration_bounds = array<i64: 2, 16>, scalar_prefetch = 0 : i64, scratch_operands = 4 : i64, tpu.core_type = #tpu.core_type<sc_vector_subcore>, window_params = [{transform_indices = #map}, {transform_indices = #map1}, {transform_indices = #map}]} {
    %mul3A = arith.constant 2 : i32
    %mul3A_0 = arith.muli %arg1, %mul3A : i32
    %add3A = arith.addi %mul3A_0, %arg0 : i32
    %mul3A_1 = arith.constant 43691 : i32
    %mul3A_2 = arith.muli %add3A, %mul3A_1 : i32
    %shift_right_arithmetic3A = arith.constant 19 : i32
    %shift_right_arithmetic3A_3 = arith.shrsi %mul3A_2, %shift_right_arithmetic3A : i32
    %mul3A_4 = arith.constant 12 : i32
    %mul3A_5 = arith.muli %mul3A_4, %shift_right_arithmetic3A_3 : i32
    %sub3A = arith.subi %add3A, %mul3A_5 : i32
    %shift_right_arithmetic3A_6 = arith.constant 1 : i32
    %shift_right_arithmetic3A_7 = arith.shrsi %sub3A, %shift_right_arithmetic3A_6 : i32
    %and3A = arith.constant 1 : i32
    %and3A_8 = arith.andi %add3A, %and3A : i32
    %mul3A_9 = arith.constant 64 : i32
    %mul3A_10 = arith.muli %and3A_8, %mul3A_9 : i32
    %run_scoped3A = arith.constant 0 : i32
    "tpu.region"() ({
      %run_scoped3A_133 = tpu.sem_alloc : memref<!tpu.dma_semaphore, #tpu.memory_space<semaphore_mem>>
      %dma_start3A_134 = arith.constant 0 : i32
      %dma_start3A_135 = tpu.memref_slice %arg5[%dma_start3A_134] : memref<128xi32, #tpu.memory_space<vmem>> -> memref<64xi32, #tpu.memory_space<vmem>>
      %dma_start3A_136 = tpu.memref_slice %arg3[%shift_right_arithmetic3A_3, %shift_right_arithmetic3A_7, %run_scoped3A, %mul3A_10] : memref<3x6x8x128xi32, #tpu.memory_space<hbm>> -> memref<1x1x1x64xi32, #tpu.memory_space<hbm>>
      %dma_start3A_137 = tpu.memref_squeeze %dma_start3A_136 : memref<1x1x1x64xi32, #tpu.memory_space<hbm>> -> memref<64xi32, #tpu.memory_space<hbm>>
      %dma_start3A_138 = arith.constant 0 : i32
      %dma_start3A_139 = tpu.memref_slice %arg5[%dma_start3A_138] : memref<128xi32, #tpu.memory_space<vmem>> -> memref<64xi32, #tpu.memory_space<vmem>>
      %dma_start3A_140 = tpu.memref_slice %arg3[%shift_right_arithmetic3A_3, %shift_right_arithmetic3A_7, %run_scoped3A, %mul3A_10] : memref<3x6x8x128xi32, #tpu.memory_space<hbm>> -> memref<1x1x1x64xi32, #tpu.memory_space<hbm>>
      %dma_start3A_141 = tpu.memref_squeeze %dma_start3A_140 : memref<1x1x1x64xi32, #tpu.memory_space<hbm>> -> memref<64xi32, #tpu.memory_space<hbm>>
      tpu.enqueue_dma source(%dma_start3A_141 : memref<64xi32, #tpu.memory_space<hbm>>) target(%dma_start3A_139 : memref<64xi32, #tpu.memory_space<vmem>>) target_semaphore(%run_scoped3A_133 : memref<!tpu.dma_semaphore, #tpu.memory_space<semaphore_mem>>)
      %dma_wait3A_142 = arith.constant 0 : i32
      %dma_wait3A_143 = tpu.memref_slice %arg5[%dma_wait3A_142] : memref<128xi32, #tpu.memory_space<vmem>> -> memref<64xi32, #tpu.memory_space<vmem>>
      %dma_wait3A_144 = tpu.memref_slice %arg3[%shift_right_arithmetic3A_3, %shift_right_arithmetic3A_7, %run_scoped3A, %mul3A_10] : memref<3x6x8x128xi32, #tpu.memory_space<hbm>> -> memref<1x1x1x64xi32, #tpu.memory_space<hbm>>
      %dma_wait3A_145 = tpu.memref_squeeze %dma_wait3A_144 : memref<1x1x1x64xi32, #tpu.memory_space<hbm>> -> memref<64xi32, #tpu.memory_space<hbm>>
      %dma_wait3A_146 = arith.constant 0 : i32
      %dma_wait3A_147 = tpu.memref_slice %arg5[%dma_wait3A_146] : memref<128xi32, #tpu.memory_space<vmem>> -> memref<64xi32, #tpu.memory_space<vmem>>
      %dma_wait3A_148 = tpu.memref_slice %arg3[%shift_right_arithmetic3A_3, %shift_right_arithmetic3A_7, %run_scoped3A, %mul3A_10] : memref<3x6x8x128xi32, #tpu.memory_space<hbm>> -> memref<1x1x1x64xi32, #tpu.memory_space<hbm>>
      %dma_wait3A_149 = tpu.memref_squeeze %dma_wait3A_148 : memref<1x1x1x64xi32, #tpu.memory_space<hbm>> -> memref<64xi32, #tpu.memory_space<hbm>>
      tpu.wait_dma2 semaphore(%run_scoped3A_133 : memref<!tpu.dma_semaphore, #tpu.memory_space<semaphore_mem>>) src(%dma_wait3A_149 : memref<64xi32, #tpu.memory_space<hbm>>) dst(%dma_wait3A_147 : memref<64xi32, #tpu.memory_space<vmem>>)
      tpu.yield
    }) : () -> ()
    %mul3A_11 = arith.constant 64 : i32
    %mul3A_12 = arith.muli %and3A_8, %mul3A_11 : i32
    %run_scoped3A_13 = arith.constant 1 : i32
    "tpu.region"() ({
      %run_scoped3A_133 = tpu.sem_alloc : memref<!tpu.dma_semaphore, #tpu.memory_space<semaphore_mem>>
      %dma_start3A_134 = arith.constant 64 : i32
      %dma_start3A_135 = tpu.memref_slice %arg5[%dma_start3A_134] : memref<128xi32, #tpu.memory_space<vmem>> -> memref<64xi32, #tpu.memory_space<vmem>>
      %dma_start3A_136 = tpu.memref_slice %arg3[%shift_right_arithmetic3A_3, %shift_right_arithmetic3A_7, %run_scoped3A_13, %mul3A_12] : memref<3x6x8x128xi32, #tpu.memory_space<hbm>> -> memref<1x1x1x64xi32, #tpu.memory_space<hbm>>
      %dma_start3A_137 = tpu.memref_squeeze %dma_start3A_136 : memref<1x1x1x64xi32, #tpu.memory_space<hbm>> -> memref<64xi32, #tpu.memory_space<hbm>>
      %dma_start3A_138 = arith.constant 64 : i32
      %dma_start3A_139 = tpu.memref_slice %arg5[%dma_start3A_138] : memref<128xi32, #tpu.memory_space<vmem>> -> memref<64xi32, #tpu.memory_space<vmem>>
      %dma_start3A_140 = tpu.memref_slice %arg3[%shift_right_arithmetic3A_3, %shift_right_arithmetic3A_7, %run_scoped3A_13, %mul3A_12] : memref<3x6x8x128xi32, #tpu.memory_space<hbm>> -> memref<1x1x1x64xi32, #tpu.memory_space<hbm>>
      %dma_start3A_141 = tpu.memref_squeeze %dma_start3A_140 : memref<1x1x1x64xi32, #tpu.memory_space<hbm>> -> memref<64xi32, #tpu.memory_space<hbm>>
      tpu.enqueue_dma source(%dma_start3A_141 : memref<64xi32, #tpu.memory_space<hbm>>) target(%dma_start3A_139 : memref<64xi32, #tpu.memory_space<vmem>>) target_semaphore(%run_scoped3A_133 : memref<!tpu.dma_semaphore, #tpu.memory_space<semaphore_mem>>)
      %dma_wait3A_142 = arith.constant 64 : i32
      %dma_wait3A_143 = tpu.memref_slice %arg5[%dma_wait3A_142] : memref<128xi32, #tpu.memory_space<vmem>> -> memref<64xi32, #tpu.memory_space<vmem>>
      %dma_wait3A_144 = tpu.memref_slice %arg3[%shift_right_arithmetic3A_3, %shift_right_arithmetic3A_7, %run_scoped3A_13, %mul3A_12] : memref<3x6x8x128xi32, #tpu.memory_space<hbm>> -> memref<1x1x1x64xi32, #tpu.memory_space<hbm>>
      %dma_wait3A_145 = tpu.memref_squeeze %dma_wait3A_144 : memref<1x1x1x64xi32, #tpu.memory_space<hbm>> -> memref<64xi32, #tpu.memory_space<hbm>>
      %dma_wait3A_146 = arith.constant 64 : i32
      %dma_wait3A_147 = tpu.memref_slice %arg5[%dma_wait3A_146] : memref<128xi32, #tpu.memory_space<vmem>> -> memref<64xi32, #tpu.memory_space<vmem>>
      %dma_wait3A_148 = tpu.memref_slice %arg3[%shift_right_arithmetic3A_3, %shift_right_arithmetic3A_7, %run_scoped3A_13, %mul3A_12] : memref<3x6x8x128xi32, #tpu.memory_space<hbm>> -> memref<1x1x1x64xi32, #tpu.memory_space<hbm>>
      %dma_wait3A_149 = tpu.memref_squeeze %dma_wait3A_148 : memref<1x1x1x64xi32, #tpu.memory_space<hbm>> -> memref<64xi32, #tpu.memory_space<hbm>>
      tpu.wait_dma2 semaphore(%run_scoped3A_133 : memref<!tpu.dma_semaphore, #tpu.memory_space<semaphore_mem>>) src(%dma_wait3A_149 : memref<64xi32, #tpu.memory_space<hbm>>) dst(%dma_wait3A_147 : memref<64xi32, #tpu.memory_space<vmem>>)
      tpu.yield
    }) : () -> ()
    %iota3A = tpu.iota {dimensions = array<i32: 0>} : vector<16xi32>
    %get3A = arith.constant 0 : index
    %get3A_14 = tpu.vector_load %arg5[%get3A] {strides = array<i32>} : memref<128xi32, #tpu.memory_space<vmem>>, vector<16xi32>,
    %get3A_15 = vector.shape_cast %get3A_14 : vector<16xi32> to vector<16xi32>
    %get3A_16 = arith.constant 56 : index
    %get3A_17 = tpu.vector_load %arg5[%get3A_16] {strides = array<i32>} : memref<128xi32, #tpu.memory_space<vmem>>, vector<16xi32>,
    %get3A_18 = vector.shape_cast %get3A_17 : vector<16xi32> to vector<16xi32>
    %lt3A = arith.constant 8 : i32
    %lt3A_19 = vector.broadcast %lt3A : i32 to vector<16xi32>
    %lt3A_20 = arith.cmpi slt, %iota3A, %lt3A_19 : vector<16xi32>
    %select_n3A = arith.select %lt3A_20, %get3A_15, %get3A_18 : vector<16xi1>, vector<16xi32>
    %swap3A = arith.constant 0 : index
    %swap3A_21 = tpu.vector_load %arg6[%swap3A] {strides = array<i32>} : memref<128xi32, #tpu.memory_space<vmem>>, vector<16xi32>,
    %swap3A_22 = vector.shape_cast %swap3A_21 : vector<16xi32> to vector<16xi32>
    %swap3A_23 = vector.shape_cast %select_n3A : vector<16xi32> to vector<16xi32>
    tpu.vector_store %arg6[%swap3A], %swap3A_23 {strides = array<i32>} : memref<128xi32, #tpu.memory_space<vmem>>, vector<16xi32>,
    %get3A_24 = arith.constant 8 : index
    %get3A_25 = tpu.vector_load %arg5[%get3A_24] {strides = array<i32>} : memref<128xi32, #tpu.memory_space<vmem>>, vector<16xi32>,
    %get3A_26 = vector.shape_cast %get3A_25 : vector<16xi32> to vector<16xi32>
    %get3A_27 = arith.constant 64 : index
    %get3A_28 = tpu.vector_load %arg5[%get3A_27] {strides = array<i32>} : memref<128xi32, #tpu.memory_space<vmem>>, vector<16xi32>,
    %get3A_29 = vector.shape_cast %get3A_28 : vector<16xi32> to vector<16xi32>
    %lt3A_30 = arith.constant 8 : i32
    %lt3A_31 = vector.broadcast %lt3A_30 : i32 to vector<16xi32>
    %lt3A_32 = arith.cmpi slt, %iota3A, %lt3A_31 : vector<16xi32>
    %select_n3A_33 = arith.select %lt3A_32, %get3A_26, %get3A_29 : vector<16xi1>, vector<16xi32>
    %swap3A_34 = arith.constant 16 : index
    %swap3A_35 = tpu.vector_load %arg6[%swap3A_34] {strides = array<i32>} : memref<128xi32, #tpu.memory_space<vmem>>, vector<16xi32>,
    %swap3A_36 = vector.shape_cast %swap3A_35 : vector<16xi32> to vector<16xi32>
    %swap3A_37 = vector.shape_cast %select_n3A_33 : vector<16xi32> to vector<16xi32>
    tpu.vector_store %arg6[%swap3A_34], %swap3A_37 {strides = array<i32>} : memref<128xi32, #tpu.memory_space<vmem>>, vector<16xi32>,
    %get3A_38 = arith.constant 16 : index
    %get3A_39 = tpu.vector_load %arg5[%get3A_38] {strides = array<i32>} : memref<128xi32, #tpu.memory_space<vmem>>, vector<16xi32>,
    %get3A_40 = vector.shape_cast %get3A_39 : vector<16xi32> to vector<16xi32>
    %get3A_41 = arith.constant 72 : index
    %get3A_42 = tpu.vector_load %arg5[%get3A_41] {strides = array<i32>} : memref<128xi32, #tpu.memory_space<vmem>>, vector<16xi32>,
    %get3A_43 = vector.shape_cast %get3A_42 : vector<16xi32> to vector<16xi32>
    %lt3A_44 = arith.constant 8 : i32
    %lt3A_45 = vector.broadcast %lt3A_44 : i32 to vector<16xi32>
    %lt3A_46 = arith.cmpi slt, %iota3A, %lt3A_45 : vector<16xi32>
    %select_n3A_47 = arith.select %lt3A_46, %get3A_40, %get3A_43 : vector<16xi1>, vector<16xi32>
    %swap3A_48 = arith.constant 32 : index
    %swap3A_49 = tpu.vector_load %arg6[%swap3A_48] {strides = array<i32>} : memref<128xi32, #tpu.memory_space<vmem>>, vector<16xi32>,
    %swap3A_50 = vector.shape_cast %swap3A_49 : vector<16xi32> to vector<16xi32>
    %swap3A_51 = vector.shape_cast %select_n3A_47 : vector<16xi32> to vector<16xi32>
    tpu.vector_store %arg6[%swap3A_48], %swap3A_51 {strides = array<i32>} : memref<128xi32, #tpu.memory_space<vmem>>, vector<16xi32>,
    %get3A_52 = arith.constant 24 : index
    %get3A_53 = tpu.vector_load %arg5[%get3A_52] {strides = array<i32>} : memref<128xi32, #tpu.memory_space<vmem>>, vector<16xi32>,
    %get3A_54 = vector.shape_cast %get3A_53 : vector<16xi32> to vector<16xi32>
    %get3A_55 = arith.constant 80 : index
    %get3A_56 = tpu.vector_load %arg5[%get3A_55] {strides = array<i32>} : memref<128xi32, #tpu.memory_space<vmem>>, vector<16xi32>,
    %get3A_57 = vector.shape_cast %get3A_56 : vector<16xi32> to vector<16xi32>
    %lt3A_58 = arith.constant 8 : i32
    %lt3A_59 = vector.broadcast %lt3A_58 : i32 to vector<16xi32>
    %lt3A_60 = arith.cmpi slt, %iota3A, %lt3A_59 : vector<16xi32>
    %select_n3A_61 = arith.select %lt3A_60, %get3A_54, %get3A_57 : vector<16xi1>, vector<16xi32>
    %swap3A_62 = arith.constant 48 : index
    %swap3A_63 = tpu.vector_load %arg6[%swap3A_62] {strides = array<i32>} : memref<128xi32, #tpu.memory_space<vmem>>, vector<16xi32>,
    %swap3A_64 = vector.shape_cast %swap3A_63 : vector<16xi32> to vector<16xi32>
    %swap3A_65 = vector.shape_cast %select_n3A_61 : vector<16xi32> to vector<16xi32>
    tpu.vector_store %arg6[%swap3A_62], %swap3A_65 {strides = array<i32>} : memref<128xi32, #tpu.memory_space<vmem>>, vector<16xi32>,
    %get3A_66 = arith.constant 32 : index
    %get3A_67 = tpu.vector_load %arg5[%get3A_66] {strides = array<i32>} : memref<128xi32, #tpu.memory_space<vmem>>, vector<16xi32>,
    %get3A_68 = vector.shape_cast %get3A_67 : vector<16xi32> to vector<16xi32>
    %get3A_69 = arith.constant 88 : index
    %get3A_70 = tpu.vector_load %arg5[%get3A_69] {strides = array<i32>} : memref<128xi32, #tpu.memory_space<vmem>>, vector<16xi32>,
    %get3A_71 = vector.shape_cast %get3A_70 : vector<16xi32> to vector<16xi32>
    %lt3A_72 = arith.constant 8 : i32
    %lt3A_73 = vector.broadcast %lt3A_72 : i32 to vector<16xi32>
    %lt3A_74 = arith.cmpi slt, %iota3A, %lt3A_73 : vector<16xi32>
    %select_n3A_75 = arith.select %lt3A_74, %get3A_68, %get3A_71 : vector<16xi1>, vector<16xi32>
    %swap3A_76 = arith.constant 64 : index
    %swap3A_77 = tpu.vector_load %arg6[%swap3A_76] {strides = array<i32>} : memref<128xi32, #tpu.memory_space<vmem>>, vector<16xi32>,
    %swap3A_78 = vector.shape_cast %swap3A_77 : vector<16xi32> to vector<16xi32>
    %swap3A_79 = vector.shape_cast %select_n3A_75 : vector<16xi32> to vector<16xi32>
    tpu.vector_store %arg6[%swap3A_76], %swap3A_79 {strides = array<i32>} : memref<128xi32, #tpu.memory_space<vmem>>, vector<16xi32>,
    %get3A_80 = arith.constant 40 : index
    %get3A_81 = tpu.vector_load %arg5[%get3A_80] {strides = array<i32>} : memref<128xi32, #tpu.memory_space<vmem>>, vector<16xi32>,
    %get3A_82 = vector.shape_cast %get3A_81 : vector<16xi32> to vector<16xi32>
    %get3A_83 = arith.constant 96 : index
    %get3A_84 = tpu.vector_load %arg5[%get3A_83] {strides = array<i32>} : memref<128xi32, #tpu.memory_space<vmem>>, vector<16xi32>,
    %get3A_85 = vector.shape_cast %get3A_84 : vector<16xi32> to vector<16xi32>
    %lt3A_86 = arith.constant 8 : i32
    %lt3A_87 = vector.broadcast %lt3A_86 : i32 to vector<16xi32>
    %lt3A_88 = arith.cmpi slt, %iota3A, %lt3A_87 : vector<16xi32>
    %select_n3A_89 = arith.select %lt3A_88, %get3A_82, %get3A_85 : vector<16xi1>, vector<16xi32>
    %swap3A_90 = arith.constant 80 : index
    %swap3A_91 = tpu.vector_load %arg6[%swap3A_90] {strides = array<i32>} : memref<128xi32, #tpu.memory_space<vmem>>, vector<16xi32>,
    %swap3A_92 = vector.shape_cast %swap3A_91 : vector<16xi32> to vector<16xi32>
    %swap3A_93 = vector.shape_cast %select_n3A_89 : vector<16xi32> to vector<16xi32>
    tpu.vector_store %arg6[%swap3A_90], %swap3A_93 {strides = array<i32>} : memref<128xi32, #tpu.memory_space<vmem>>, vector<16xi32>,
    %get3A_94 = arith.constant 48 : index
    %get3A_95 = tpu.vector_load %arg5[%get3A_94] {strides = array<i32>} : memref<128xi32, #tpu.memory_space<vmem>>, vector<16xi32>,
    %get3A_96 = vector.shape_cast %get3A_95 : vector<16xi32> to vector<16xi32>
    %get3A_97 = arith.constant 104 : index
    %get3A_98 = tpu.vector_load %arg5[%get3A_97] {strides = array<i32>} : memref<128xi32, #tpu.memory_space<vmem>>, vector<16xi32>,
    %get3A_99 = vector.shape_cast %get3A_98 : vector<16xi32> to vector<16xi32>
    %lt3A_100 = arith.constant 8 : i32
    %lt3A_101 = vector.broadcast %lt3A_100 : i32 to vector<16xi32>
    %lt3A_102 = arith.cmpi slt, %iota3A, %lt3A_101 : vector<16xi32>
    %select_n3A_103 = arith.select %lt3A_102, %get3A_96, %get3A_99 : vector<16xi1>, vector<16xi32>
    %swap3A_104 = arith.constant 96 : index
    %swap3A_105 = tpu.vector_load %arg6[%swap3A_104] {strides = array<i32>} : memref<128xi32, #tpu.memory_space<vmem>>, vector<16xi32>,
    %swap3A_106 = vector.shape_cast %swap3A_105 : vector<16xi32> to vector<16xi32>
    %swap3A_107 = vector.shape_cast %select_n3A_103 : vector<16xi32> to vector<16xi32>
    tpu.vector_store %arg6[%swap3A_104], %swap3A_107 {strides = array<i32>} : memref<128xi32, #tpu.memory_space<vmem>>, vector<16xi32>,
    %get3A_108 = arith.constant 56 : index
    %get3A_109 = tpu.vector_load %arg5[%get3A_108] {strides = array<i32>} : memref<128xi32, #tpu.memory_space<vmem>>, vector<16xi32>,
    %get3A_110 = vector.shape_cast %get3A_109 : vector<16xi32> to vector<16xi32>
    %get3A_111 = arith.constant 112 : index
    %get3A_112 = tpu.vector_load %arg5[%get3A_111] {strides = array<i32>} : memref<128xi32, #tpu.memory_space<vmem>>, vector<16xi32>,
    %get3A_113 = vector.shape_cast %get3A_112 : vector<16xi32> to vector<16xi32>
    %lt3A_114 = arith.constant 8 : i32
    %lt3A_115 = vector.broadcast %lt3A_114 : i32 to vector<16xi32>
    %lt3A_116 = arith.cmpi slt, %iota3A, %lt3A_115 : vector<16xi32>
    %select_n3A_117 = arith.select %lt3A_116, %get3A_110, %get3A_113 : vector<16xi1>, vector<16xi32>
    %swap3A_118 = arith.constant 112 : index
    %swap3A_119 = tpu.vector_load %arg6[%swap3A_118] {strides = array<i32>} : memref<128xi32, #tpu.memory_space<vmem>>, vector<16xi32>,
    %swap3A_120 = vector.shape_cast %swap3A_119 : vector<16xi32> to vector<16xi32>
    %swap3A_121 = vector.shape_cast %select_n3A_117 : vector<16xi32> to vector<16xi32>
    tpu.vector_store %arg6[%swap3A_118], %swap3A_121 {strides = array<i32>} : memref<128xi32, #tpu.memory_space<vmem>>, vector<16xi32>,
    %dma_start3A = arith.constant 0 : i32
    %dma_start3A_122 = arith.constant 0 : i32
    %dma_start3A_123 = tpu.memref_slice %arg2[%dma_start3A, %dma_start3A_122] : memref<320x128xf32, #tpu.memory_space<hbm>> -> memref<320x128xf32, #tpu.memory_space<hbm>>
    tpu.enqueue_indirect_dma source(%dma_start3A_123 : memref<320x128xf32, #tpu.memory_space<hbm>>) target(%arg7 : memref<128x128xf32, #tpu.memory_space<vmem>>) offsets(%arg6 : memref<128xi32, #tpu.memory_space<vmem>>) semaphore(%arg8 : memref<!tpu.dma_semaphore, #tpu.memory_space<semaphore_mem>>)
    %dma_wait3A = arith.constant 0 : i32
    %dma_wait3A_124 = arith.constant 0 : i32
    %dma_wait3A_125 = tpu.memref_slice %arg2[%dma_wait3A, %dma_wait3A_124] : memref<320x128xf32, #tpu.memory_space<hbm>> -> memref<320x128xf32, #tpu.memory_space<hbm>>
    tpu.wait_indirect_dma semaphore(%arg8 : memref<!tpu.dma_semaphore, #tpu.memory_space<semaphore_mem>>) src(%dma_wait3A_125 : memref<320x128xf32, #tpu.memory_space<hbm>>) dst(%arg7 : memref<128x128xf32, #tpu.memory_space<vmem>>)
    %mul3A_126 = arith.constant 128 : i32
    %mul3A_127 = arith.muli %add3A, %mul3A_126 : i32
    "tpu.region"() ({
      %run_scoped3A_133 = tpu.sem_alloc : memref<!tpu.dma_semaphore, #tpu.memory_space<semaphore_mem>>
      %dma_start3A_134 = arith.constant 0 : i32
      %dma_start3A_135 = tpu.memref_slice %arg4[%mul3A_127, %dma_start3A_134] : memref<4608x128xf32, #tpu.memory_space<hbm>> -> memref<128x128xf32, #tpu.memory_space<hbm>>
      %dma_start3A_136 = arith.constant 0 : i32
      %dma_start3A_137 = tpu.memref_slice %arg4[%mul3A_127, %dma_start3A_136] : memref<4608x128xf32, #tpu.memory_space<hbm>> -> memref<128x128xf32, #tpu.memory_space<hbm>>
      tpu.enqueue_dma source(%arg7 : memref<128x128xf32, #tpu.memory_space<vmem>>) target(%dma_start3A_137 : memref<128x128xf32, #tpu.memory_space<hbm>>) target_semaphore(%run_scoped3A_133 : memref<!tpu.dma_semaphore, #tpu.memory_space<semaphore_mem>>)
      %dma_wait3A_138 = arith.constant 0 : i32
      %dma_wait3A_139 = tpu.memref_slice %arg4[%mul3A_127, %dma_wait3A_138] : memref<4608x128xf32, #tpu.memory_space<hbm>> -> memref<128x128xf32, #tpu.memory_space<hbm>>
      %dma_wait3A_140 = arith.constant 0 : i32
      %dma_wait3A_141 = tpu.memref_slice %arg4[%mul3A_127, %dma_wait3A_140] : memref<4608x128xf32, #tpu.memory_space<hbm>> -> memref<128x128xf32, #tpu.memory_space<hbm>>
      tpu.wait_dma2 semaphore(%run_scoped3A_133 : memref<!tpu.dma_semaphore, #tpu.memory_space<semaphore_mem>>) src(%arg7 : memref<128x128xf32, #tpu.memory_space<vmem>>) dst(%dma_wait3A_141 : memref<128x128xf32, #tpu.memory_space<hbm>>)
      tpu.yield
    }) : () -> ()
    %add3A_128 = arith.constant 32 : i32
    %add3A_129 = arith.addi %add3A, %add3A_128 : i32
    %lt3A_130 = arith.constant 36 : i32
    %lt3A_131 = arith.cmpi slt, %add3A_129, %lt3A_130 : i32
    %convert_element_type3A = arith.extui %lt3A_131 : i1 to i32
    %cond3A = arith.constant 0 : i32
    %cond3A_132 = arith.cmpi ne, %convert_element_type3A, %cond3A : i32
    scf.if %cond3A_132 {
      %add3A_133 = arith.constant 32 : i32
      %add3A_134 = arith.addi %add3A, %add3A_133 : i32
      %mul3A_135 = arith.constant 43691 : i32
      %mul3A_136 = arith.muli %add3A_134, %mul3A_135 : i32
      %shift_right_arithmetic3A_137 = arith.constant 19 : i32
      %shift_right_arithmetic3A_138 = arith.shrsi %mul3A_136, %shift_right_arithmetic3A_137 : i32
      %mul3A_139 = arith.constant 12 : i32
      %mul3A_140 = arith.muli %mul3A_139, %shift_right_arithmetic3A_138 : i32
      %sub3A_141 = arith.subi %add3A_134, %mul3A_140 : i32
      %shift_right_arithmetic3A_142 = arith.constant 1 : i32
      %shift_right_arithmetic3A_143 = arith.shrsi %sub3A_141, %shift_right_arithmetic3A_142 : i32
      %and3A_144 = arith.constant 1 : i32
      %and3A_145 = arith.andi %add3A_134, %and3A_144 : i32
      %mul3A_146 = arith.constant 64 : i32
      %mul3A_147 = arith.muli %and3A_145, %mul3A_146 : i32
      %run_scoped3A_148 = arith.constant 0 : i32
      "tpu.region"() ({
        %run_scoped3A_273 = tpu.sem_alloc : memref<!tpu.dma_semaphore, #tpu.memory_space<semaphore_mem>>
        %dma_start3A_274 = arith.constant 0 : i32
        %dma_start3A_275 = tpu.memref_slice %arg5[%dma_start3A_274] : memref<128xi32, #tpu.memory_space<vmem>> -> memref<64xi32, #tpu.memory_space<vmem>>
        %dma_start3A_276 = tpu.memref_slice %arg3[%shift_right_arithmetic3A_138, %shift_right_arithmetic3A_143, %run_scoped3A_148, %mul3A_147] : memref<3x6x8x128xi32, #tpu.memory_space<hbm>> -> memref<1x1x1x64xi32, #tpu.memory_space<hbm>>
        %dma_start3A_277 = tpu.memref_squeeze %dma_start3A_276 : memref<1x1x1x64xi32, #tpu.memory_space<hbm>> -> memref<64xi32, #tpu.memory_space<hbm>>
        %dma_start3A_278 = arith.constant 0 : i32
        %dma_start3A_279 = tpu.memref_slice %arg5[%dma_start3A_278] : memref<128xi32, #tpu.memory_space<vmem>> -> memref<64xi32, #tpu.memory_space<vmem>>
        %dma_start3A_280 = tpu.memref_slice %arg3[%shift_right_arithmetic3A_138, %shift_right_arithmetic3A_143, %run_scoped3A_148, %mul3A_147] : memref<3x6x8x128xi32, #tpu.memory_space<hbm>> -> memref<1x1x1x64xi32, #tpu.memory_space<hbm>>
        %dma_start3A_281 = tpu.memref_squeeze %dma_start3A_280 : memref<1x1x1x64xi32, #tpu.memory_space<hbm>> -> memref<64xi32, #tpu.memory_space<hbm>>
        tpu.enqueue_dma source(%dma_start3A_281 : memref<64xi32, #tpu.memory_space<hbm>>) target(%dma_start3A_279 : memref<64xi32, #tpu.memory_space<vmem>>) target_semaphore(%run_scoped3A_273 : memref<!tpu.dma_semaphore, #tpu.memory_space<semaphore_mem>>)
        %dma_wait3A_282 = arith.constant 0 : i32
        %dma_wait3A_283 = tpu.memref_slice %arg5[%dma_wait3A_282] : memref<128xi32, #tpu.memory_space<vmem>> -> memref<64xi32, #tpu.memory_space<vmem>>
        %dma_wait3A_284 = tpu.memref_slice %arg3[%shift_right_arithmetic3A_138, %shift_right_arithmetic3A_143, %run_scoped3A_148, %mul3A_147] : memref<3x6x8x128xi32, #tpu.memory_space<hbm>> -> memref<1x1x1x64xi32, #tpu.memory_space<hbm>>
        %dma_wait3A_285 = tpu.memref_squeeze %dma_wait3A_284 : memref<1x1x1x64xi32, #tpu.memory_space<hbm>> -> memref<64xi32, #tpu.memory_space<hbm>>
        %dma_wait3A_286 = arith.constant 0 : i32
        %dma_wait3A_287 = tpu.memref_slice %arg5[%dma_wait3A_286] : memref<128xi32, #tpu.memory_space<vmem>> -> memref<64xi32, #tpu.memory_space<vmem>>
        %dma_wait3A_288 = tpu.memref_slice %arg3[%shift_right_arithmetic3A_138, %shift_right_arithmetic3A_143, %run_scoped3A_148, %mul3A_147] : memref<3x6x8x128xi32, #tpu.memory_space<hbm>> -> memref<1x1x1x64xi32, #tpu.memory_space<hbm>>
        %dma_wait3A_289 = tpu.memref_squeeze %dma_wait3A_288 : memref<1x1x1x64xi32, #tpu.memory_space<hbm>> -> memref<64xi32, #tpu.memory_space<hbm>>
        tpu.wait_dma2 semaphore(%run_scoped3A_273 : memref<!tpu.dma_semaphore, #tpu.memory_space<semaphore_mem>>) src(%dma_wait3A_289 : memref<64xi32, #tpu.memory_space<hbm>>) dst(%dma_wait3A_287 : memref<64xi32, #tpu.memory_space<vmem>>)
        tpu.yield
      }) : () -> ()
      %mul3A_149 = arith.constant 64 : i32
      %mul3A_150 = arith.muli %and3A_145, %mul3A_149 : i32
      %run_scoped3A_151 = arith.constant 1 : i32
      "tpu.region"() ({
        %run_scoped3A_273 = tpu.sem_alloc : memref<!tpu.dma_semaphore, #tpu.memory_space<semaphore_mem>>
        %dma_start3A_274 = arith.constant 64 : i32
        %dma_start3A_275 = tpu.memref_slice %arg5[%dma_start3A_274] : memref<128xi32, #tpu.memory_space<vmem>> -> memref<64xi32, #tpu.memory_space<vmem>>
        %dma_start3A_276 = tpu.memref_slice %arg3[%shift_right_arithmetic3A_138, %shift_right_arithmetic3A_143, %run_scoped3A_151, %mul3A_150] : memref<3x6x8x128xi32, #tpu.memory_space<hbm>> -> memref<1x1x1x64xi32, #tpu.memory_space<hbm>>
        %dma_start3A_277 = tpu.memref_squeeze %dma_start3A_276 : memref<1x1x1x64xi32, #tpu.memory_space<hbm>> -> memref<64xi32, #tpu.memory_space<hbm>>
        %dma_start3A_278 = arith.constant 64 : i32
        %dma_start3A_279 = tpu.memref_slice %arg5[%dma_start3A_278] : memref<128xi32, #tpu.memory_space<vmem>> -> memref<64xi32, #tpu.memory_space<vmem>>
        %dma_start3A_280 = tpu.memref_slice %arg3[%shift_right_arithmetic3A_138, %shift_right_arithmetic3A_143, %run_scoped3A_151, %mul3A_150] : memref<3x6x8x128xi32, #tpu.memory_space<hbm>> -> memref<1x1x1x64xi32, #tpu.memory_space<hbm>>
        %dma_start3A_281 = tpu.memref_squeeze %dma_start3A_280 : memref<1x1x1x64xi32, #tpu.memory_space<hbm>> -> memref<64xi32, #tpu.memory_space<hbm>>
        tpu.enqueue_dma source(%dma_start3A_281 : memref<64xi32, #tpu.memory_space<hbm>>) target(%dma_start3A_279 : memref<64xi32, #tpu.memory_space<vmem>>) target_semaphore(%run_scoped3A_273 : memref<!tpu.dma_semaphore, #tpu.memory_space<semaphore_mem>>)
        %dma_wait3A_282 = arith.constant 64 : i32
        %dma_wait3A_283 = tpu.memref_slice %arg5[%dma_wait3A_282] : memref<128xi32, #tpu.memory_space<vmem>> -> memref<64xi32, #tpu.memory_space<vmem>>
        %dma_wait3A_284 = tpu.memref_slice %arg3[%shift_right_arithmetic3A_138, %shift_right_arithmetic3A_143, %run_scoped3A_151, %mul3A_150] : memref<3x6x8x128xi32, #tpu.memory_space<hbm>> -> memref<1x1x1x64xi32, #tpu.memory_space<hbm>>
        %dma_wait3A_285 = tpu.memref_squeeze %dma_wait3A_284 : memref<1x1x1x64xi32, #tpu.memory_space<hbm>> -> memref<64xi32, #tpu.memory_space<hbm>>
        %dma_wait3A_286 = arith.constant 64 : i32
        %dma_wait3A_287 = tpu.memref_slice %arg5[%dma_wait3A_286] : memref<128xi32, #tpu.memory_space<vmem>> -> memref<64xi32, #tpu.memory_space<vmem>>
        %dma_wait3A_288 = tpu.memref_slice %arg3[%shift_right_arithmetic3A_138, %shift_right_arithmetic3A_143, %run_scoped3A_151, %mul3A_150] : memref<3x6x8x128xi32, #tpu.memory_space<hbm>> -> memref<1x1x1x64xi32, #tpu.memory_space<hbm>>
        %dma_wait3A_289 = tpu.memref_squeeze %dma_wait3A_288 : memref<1x1x1x64xi32, #tpu.memory_space<hbm>> -> memref<64xi32, #tpu.memory_space<hbm>>
        tpu.wait_dma2 semaphore(%run_scoped3A_273 : memref<!tpu.dma_semaphore, #tpu.memory_space<semaphore_mem>>) src(%dma_wait3A_289 : memref<64xi32, #tpu.memory_space<hbm>>) dst(%dma_wait3A_287 : memref<64xi32, #tpu.memory_space<vmem>>)
        tpu.yield
      }) : () -> ()
      %iota3A_152 = tpu.iota {dimensions = array<i32: 0>} : vector<16xi32>
      %get3A_153 = arith.constant 0 : index
      %get3A_154 = tpu.vector_load %arg5[%get3A_153] {strides = array<i32>} : memref<128xi32, #tpu.memory_space<vmem>>, vector<16xi32>,
      %get3A_155 = vector.shape_cast %get3A_154 : vector<16xi32> to vector<16xi32>
      %get3A_156 = arith.constant 56 : index
      %get3A_157 = tpu.vector_load %arg5[%get3A_156] {strides = array<i32>} : memref<128xi32, #tpu.memory_space<vmem>>, vector<16xi32>,
      %get3A_158 = vector.shape_cast %get3A_157 : vector<16xi32> to vector<16xi32>
      %lt3A_159 = arith.constant 8 : i32
      %lt3A_160 = vector.broadcast %lt3A_159 : i32 to vector<16xi32>
      %lt3A_161 = arith.cmpi slt, %iota3A_152, %lt3A_160 : vector<16xi32>
      %select_n3A_162 = arith.select %lt3A_161, %get3A_155, %get3A_158 : vector<16xi1>, vector<16xi32>
      %swap3A_163 = arith.constant 0 : index
      %swap3A_164 = tpu.vector_load %arg6[%swap3A_163] {strides = array<i32>} : memref<128xi32, #tpu.memory_space<vmem>>, vector<16xi32>,
      %swap3A_165 = vector.shape_cast %swap3A_164 : vector<16xi32> to vector<16xi32>
      %swap3A_166 = vector.shape_cast %select_n3A_162 : vector<16xi32> to vector<16xi32>
      tpu.vector_store %arg6[%swap3A_163], %swap3A_166 {strides = array<i32>} : memref<128xi32, #tpu.memory_space<vmem>>, vector<16xi32>,
      %get3A_167 = arith.constant 8 : index
      %get3A_168 = tpu.vector_load %arg5[%get3A_167] {strides = array<i32>} : memref<128xi32, #tpu.memory_space<vmem>>, vector<16xi32>,
      %get3A_169 = vector.shape_cast %get3A_168 : vector<16xi32> to vector<16xi32>
      %get3A_170 = arith.constant 64 : index
      %get3A_171 = tpu.vector_load %arg5[%get3A_170] {strides = array<i32>} : memref<128xi32, #tpu.memory_space<vmem>>, vector<16xi32>,
      %get3A_172 = vector.shape_cast %get3A_171 : vector<16xi32> to vector<16xi32>
      %lt3A_173 = arith.constant 8 : i32
      %lt3A_174 = vector.broadcast %lt3A_173 : i32 to vector<16xi32>
      %lt3A_175 = arith.cmpi slt, %iota3A_152, %lt3A_174 : vector<16xi32>
      %select_n3A_176 = arith.select %lt3A_175, %get3A_169, %get3A_172 : vector<16xi1>, vector<16xi32>
      %swap3A_177 = arith.constant 16 : index
      %swap3A_178 = tpu.vector_load %arg6[%swap3A_177] {strides = array<i32>} : memref<128xi32, #tpu.memory_space<vmem>>, vector<16xi32>,
      %swap3A_179 = vector.shape_cast %swap3A_178 : vector<16xi32> to vector<16xi32>
      %swap3A_180 = vector.shape_cast %select_n3A_176 : vector<16xi32> to vector<16xi32>
      tpu.vector_store %arg6[%swap3A_177], %swap3A_180 {strides = array<i32>} : memref<128xi32, #tpu.memory_space<vmem>>, vector<16xi32>,
      %get3A_181 = arith.constant 16 : index
      %get3A_182 = tpu.vector_load %arg5[%get3A_181] {strides = array<i32>} : memref<128xi32, #tpu.memory_space<vmem>>, vector<16xi32>,
      %get3A_183 = vector.shape_cast %get3A_182 : vector<16xi32> to vector<16xi32>
      %get3A_184 = arith.constant 72 : index
      %get3A_185 = tpu.vector_load %arg5[%get3A_184] {strides = array<i32>} : memref<128xi32, #tpu.memory_space<vmem>>, vector<16xi32>,
      %get3A_186 = vector.shape_cast %get3A_185 : vector<16xi32> to vector<16xi32>
      %lt3A_187 = arith.constant 8 : i32
      %lt3A_188 = vector.broadcast %lt3A_187 : i32 to vector<16xi32>
      %lt3A_189 = arith.cmpi slt, %iota3A_152, %lt3A_188 : vector<16xi32>
      %select_n3A_190 = arith.select %lt3A_189, %get3A_183, %get3A_186 : vector<16xi1>, vector<16xi32>
      %swap3A_191 = arith.constant 32 : index
      %swap3A_192 = tpu.vector_load %arg6[%swap3A_191] {strides = array<i32>} : memref<128xi32, #tpu.memory_space<vmem>>, vector<16xi32>,
      %swap3A_193 = vector.shape_cast %swap3A_192 : vector<16xi32> to vector<16xi32>
      %swap3A_194 = vector.shape_cast %select_n3A_190 : vector<16xi32> to vector<16xi32>
      tpu.vector_store %arg6[%swap3A_191], %swap3A_194 {strides = array<i32>} : memref<128xi32, #tpu.memory_space<vmem>>, vector<16xi32>,
      %get3A_195 = arith.constant 24 : index
      %get3A_196 = tpu.vector_load %arg5[%get3A_195] {strides = array<i32>} : memref<128xi32, #tpu.memory_space<vmem>>, vector<16xi32>,
      %get3A_197 = vector.shape_cast %get3A_196 : vector<16xi32> to vector<16xi32>
      %get3A_198 = arith.constant 80 : index
      %get3A_199 = tpu.vector_load %arg5[%get3A_198] {strides = array<i32>} : memref<128xi32, #tpu.memory_space<vmem>>, vector<16xi32>,
      %get3A_200 = vector.shape_cast %get3A_199 : vector<16xi32> to vector<16xi32>
      %lt3A_201 = arith.constant 8 : i32
      %lt3A_202 = vector.broadcast %lt3A_201 : i32 to vector<16xi32>
      %lt3A_203 = arith.cmpi slt, %iota3A_152, %lt3A_202 : vector<16xi32>
      %select_n3A_204 = arith.select %lt3A_203, %get3A_197, %get3A_200 : vector<16xi1>, vector<16xi32>
      %swap3A_205 = arith.constant 48 : index
      %swap3A_206 = tpu.vector_load %arg6[%swap3A_205] {strides = array<i32>} : memref<128xi32, #tpu.memory_space<vmem>>, vector<16xi32>,
      %swap3A_207 = vector.shape_cast %swap3A_206 : vector<16xi32> to vector<16xi32>
      %swap3A_208 = vector.shape_cast %select_n3A_204 : vector<16xi32> to vector<16xi32>
      tpu.vector_store %arg6[%swap3A_205], %swap3A_208 {strides = array<i32>} : memref<128xi32, #tpu.memory_space<vmem>>, vector<16xi32>,
      %get3A_209 = arith.constant 32 : index
      %get3A_210 = tpu.vector_load %arg5[%get3A_209] {strides = array<i32>} : memref<128xi32, #tpu.memory_space<vmem>>, vector<16xi32>,
      %get3A_211 = vector.shape_cast %get3A_210 : vector<16xi32> to vector<16xi32>
      %get3A_212 = arith.constant 88 : index
      %get3A_213 = tpu.vector_load %arg5[%get3A_212] {strides = array<i32>} : memref<128xi32, #tpu.memory_space<vmem>>, vector<16xi32>,
      %get3A_214 = vector.shape_cast %get3A_213 : vector<16xi32> to vector<16xi32>
      %lt3A_215 = arith.constant 8 : i32
      %lt3A_216 = vector.broadcast %lt3A_215 : i32 to vector<16xi32>
      %lt3A_217 = arith.cmpi slt, %iota3A_152, %lt3A_216 : vector<16xi32>
      %select_n3A_218 = arith.select %lt3A_217, %get3A_211, %get3A_214 : vector<16xi1>, vector<16xi32>
      %swap3A_219 = arith.constant 64 : index
      %swap3A_220 = tpu.vector_load %arg6[%swap3A_219] {strides = array<i32>} : memref<128xi32, #tpu.memory_space<vmem>>, vector<16xi32>,
      %swap3A_221 = vector.shape_cast %swap3A_220 : vector<16xi32> to vector<16xi32>
      %swap3A_222 = vector.shape_cast %select_n3A_218 : vector<16xi32> to vector<16xi32>
      tpu.vector_store %arg6[%swap3A_219], %swap3A_222 {strides = array<i32>} : memref<128xi32, #tpu.memory_space<vmem>>, vector<16xi32>,
      %get3A_223 = arith.constant 40 : index
      %get3A_224 = tpu.vector_load %arg5[%get3A_223] {strides = array<i32>} : memref<128xi32, #tpu.memory_space<vmem>>, vector<16xi32>,
      %get3A_225 = vector.shape_cast %get3A_224 : vector<16xi32> to vector<16xi32>
      %get3A_226 = arith.constant 96 : index
      %get3A_227 = tpu.vector_load %arg5[%get3A_226] {strides = array<i32>} : memref<128xi32, #tpu.memory_space<vmem>>, vector<16xi32>,
      %get3A_228 = vector.shape_cast %get3A_227 : vector<16xi32> to vector<16xi32>
      %lt3A_229 = arith.constant 8 : i32
      %lt3A_230 = vector.broadcast %lt3A_229 : i32 to vector<16xi32>
      %lt3A_231 = arith.cmpi slt, %iota3A_152, %lt3A_230 : vector<16xi32>
      %select_n3A_232 = arith.select %lt3A_231, %get3A_225, %get3A_228 : vector<16xi1>, vector<16xi32>
      %swap3A_233 = arith.constant 80 : index
      %swap3A_234 = tpu.vector_load %arg6[%swap3A_233] {strides = array<i32>} : memref<128xi32, #tpu.memory_space<vmem>>, vector<16xi32>,
      %swap3A_235 = vector.shape_cast %swap3A_234 : vector<16xi32> to vector<16xi32>
      %swap3A_236 = vector.shape_cast %select_n3A_232 : vector<16xi32> to vector<16xi32>
      tpu.vector_store %arg6[%swap3A_233], %swap3A_236 {strides = array<i32>} : memref<128xi32, #tpu.memory_space<vmem>>, vector<16xi32>,
      %get3A_237 = arith.constant 48 : index
      %get3A_238 = tpu.vector_load %arg5[%get3A_237] {strides = array<i32>} : memref<128xi32, #tpu.memory_space<vmem>>, vector<16xi32>,
      %get3A_239 = vector.shape_cast %get3A_238 : vector<16xi32> to vector<16xi32>
      %get3A_240 = arith.constant 104 : index
      %get3A_241 = tpu.vector_load %arg5[%get3A_240] {strides = array<i32>} : memref<128xi32, #tpu.memory_space<vmem>>, vector<16xi32>,
      %get3A_242 = vector.shape_cast %get3A_241 : vector<16xi32> to vector<16xi32>
      %lt3A_243 = arith.constant 8 : i32
      %lt3A_244 = vector.broadcast %lt3A_243 : i32 to vector<16xi32>
      %lt3A_245 = arith.cmpi slt, %iota3A_152, %lt3A_244 : vector<16xi32>
      %select_n3A_246 = arith.select %lt3A_245, %get3A_239, %get3A_242 : vector<16xi1>, vector<16xi32>
      %swap3A_247 = arith.constant 96 : index
      %swap3A_248 = tpu.vector_load %arg6[%swap3A_247] {strides = array<i32>} : memref<128xi32, #tpu.memory_space<vmem>>, vector<16xi32>,
      %swap3A_249 = vector.shape_cast %swap3A_248 : vector<16xi32> to vector<16xi32>
      %swap3A_250 = vector.shape_cast %select_n3A_246 : vector<16xi32> to vector<16xi32>
      tpu.vector_store %arg6[%swap3A_247], %swap3A_250 {strides = array<i32>} : memref<128xi32, #tpu.memory_space<vmem>>, vector<16xi32>,
      %get3A_251 = arith.constant 56 : index
      %get3A_252 = tpu.vector_load %arg5[%get3A_251] {strides = array<i32>} : memref<128xi32, #tpu.memory_space<vmem>>, vector<16xi32>,
      %get3A_253 = vector.shape_cast %get3A_252 : vector<16xi32> to vector<16xi32>
      %get3A_254 = arith.constant 112 : index
      %get3A_255 = tpu.vector_load %arg5[%get3A_254] {strides = array<i32>} : memref<128xi32, #tpu.memory_space<vmem>>, vector<16xi32>,
      %get3A_256 = vector.shape_cast %get3A_255 : vector<16xi32> to vector<16xi32>
      %lt3A_257 = arith.constant 8 : i32
      %lt3A_258 = vector.broadcast %lt3A_257 : i32 to vector<16xi32>
      %lt3A_259 = arith.cmpi slt, %iota3A_152, %lt3A_258 : vector<16xi32>
      %select_n3A_260 = arith.select %lt3A_259, %get3A_253, %get3A_256 : vector<16xi1>, vector<16xi32>
      %swap3A_261 = arith.constant 112 : index
      %swap3A_262 = tpu.vector_load %arg6[%swap3A_261] {strides = array<i32>} : memref<128xi32, #tpu.memory_space<vmem>>, vector<16xi32>,
      %swap3A_263 = vector.shape_cast %swap3A_262 : vector<16xi32> to vector<16xi32>
      %swap3A_264 = vector.shape_cast %select_n3A_260 : vector<16xi32> to vector<16xi32>
      tpu.vector_store %arg6[%swap3A_261], %swap3A_264 {strides = array<i32>} : memref<128xi32, #tpu.memory_space<vmem>>, vector<16xi32>,
      %dma_start3A_265 = arith.constant 0 : i32
      %dma_start3A_266 = arith.constant 0 : i32
      %dma_start3A_267 = tpu.memref_slice %arg2[%dma_start3A_265, %dma_start3A_266] : memref<320x128xf32, #tpu.memory_space<hbm>> -> memref<320x128xf32, #tpu.memory_space<hbm>>
      tpu.enqueue_indirect_dma source(%dma_start3A_267 : memref<320x128xf32, #tpu.memory_space<hbm>>) target(%arg7 : memref<128x128xf32, #tpu.memory_space<vmem>>) offsets(%arg6 : memref<128xi32, #tpu.memory_space<vmem>>) semaphore(%arg8 : memref<!tpu.dma_semaphore, #tpu.memory_space<semaphore_mem>>)
      %dma_wait3A_268 = arith.constant 0 : i32
      %dma_wait3A_269 = arith.constant 0 : i32
      %dma_wait3A_270 = tpu.memref_slice %arg2[%dma_wait3A_268, %dma_wait3A_269] : memref<320x128xf32, #tpu.memory_space<hbm>> -> memref<320x128xf32, #tpu.memory_space<hbm>>
      tpu.wait_indirect_dma semaphore(%arg8 : memref<!tpu.dma_semaphore, #tpu.memory_space<semaphore_mem>>) src(%dma_wait3A_270 : memref<320x128xf32, #tpu.memory_space<hbm>>) dst(%arg7 : memref<128x128xf32, #tpu.memory_space<vmem>>)
      %mul3A_271 = arith.constant 128 : i32
      %mul3A_272 = arith.muli %add3A_134, %mul3A_271 : i32
      "tpu.region"() ({
        %run_scoped3A_273 = tpu.sem_alloc : memref<!tpu.dma_semaphore, #tpu.memory_space<semaphore_mem>>
        %dma_start3A_274 = arith.constant 0 : i32
        %dma_start3A_275 = tpu.memref_slice %arg4[%mul3A_272, %dma_start3A_274] : memref<4608x128xf32, #tpu.memory_space<hbm>> -> memref<128x128xf32, #tpu.memory_space<hbm>>
        %dma_start3A_276 = arith.constant 0 : i32
        %dma_start3A_277 = tpu.memref_slice %arg4[%mul3A_272, %dma_start3A_276] : memref<4608x128xf32, #tpu.memory_space<hbm>> -> memref<128x128xf32, #tpu.memory_space<hbm>>
        tpu.enqueue_dma source(%arg7 : memref<128x128xf32, #tpu.memory_space<vmem>>) target(%dma_start3A_277 : memref<128x128xf32, #tpu.memory_space<hbm>>) target_semaphore(%run_scoped3A_273 : memref<!tpu.dma_semaphore, #tpu.memory_space<semaphore_mem>>)
        %dma_wait3A_278 = arith.constant 0 : i32
        %dma_wait3A_279 = tpu.memref_slice %arg4[%mul3A_272, %dma_wait3A_278] : memref<4608x128xf32, #tpu.memory_space<hbm>> -> memref<128x128xf32, #tpu.memory_space<hbm>>
        %dma_wait3A_280 = arith.constant 0 : i32
        %dma_wait3A_281 = tpu.memref_slice %arg4[%mul3A_272, %dma_wait3A_280] : memref<4608x128xf32, #tpu.memory_space<hbm>> -> memref<128x128xf32, #tpu.memory_space<hbm>>
        tpu.wait_dma2 semaphore(%run_scoped3A_273 : memref<!tpu.dma_semaphore, #tpu.memory_space<semaphore_mem>>) src(%arg7 : memref<128x128xf32, #tpu.memory_space<vmem>>) dst(%dma_wait3A_281 : memref<128x128xf32, #tpu.memory_space<hbm>>)
        tpu.yield
      }) : () -> ()
    } else {
    }
    return
  }
}

module attributes {stable_mosaic.version = 14 : i64} {
  func.func @_mlp_argmax_body(%arg0: i32, %arg1: memref<768x768xf32, #tpu.memory_space<vmem>>, %arg2: memref<768x1536xf32, #tpu.memory_space<vmem>>, %arg3: memref<1536xf32, #tpu.memory_space<vmem>>, %arg4: memref<1536x640xf32, #tpu.memory_space<vmem>>, %arg5: memref<640xf32, #tpu.memory_space<vmem>>, %arg6: memref<320x1536xf32, #tpu.memory_space<vmem>>, %arg7: memref<1x8x768xi32, #tpu.memory_space<vmem>>) attributes {dimension_semantics = [#tpu.dimension_semantics<arbitrary>], iteration_bounds = array<i64: 3>, scalar_prefetch = 0 : i64, scratch_operands = 0 : i64, tpu.core_type = #tpu.core_type<tc>, window_params = [{transform_indices = @transform_0, window_bounds = array<i64: 768, 768>}, {pipeline_mode = #tpu.pipeline_mode<synchronous>, transform_indices = @transform_1, window_bounds = array<i64: 768, 1536>}, {pipeline_mode = #tpu.pipeline_mode<synchronous>, transform_indices = @transform_2, window_bounds = array<i64: 1536>}, {pipeline_mode = #tpu.pipeline_mode<synchronous>, transform_indices = @transform_3, window_bounds = array<i64: 1536, 640>}, {pipeline_mode = #tpu.pipeline_mode<synchronous>, transform_indices = @transform_4, window_bounds = array<i64: 640>}, {transform_indices = @transform_5, window_bounds = array<i64: 320, 1536>}, {transform_indices = @transform_6, window_bounds = array<i64: 1, 8, 768>}]} {
    %get3A = arith.constant 0 : index
    %get3A_0 = arith.constant 0 : index
    %get3A_1 = vector.load %arg1[%get3A, %get3A_0] : memref<768x768xf32, #tpu.memory_space<vmem>>, vector<768x768xf32>
    %get3A_2 = arith.constant 0 : index
    %get3A_3 = arith.constant 0 : index
    %get3A_4 = vector.load %arg2[%get3A_2, %get3A_3] : memref<768x1536xf32, #tpu.memory_space<vmem>>, vector<768x1536xf32>
    %dot_general3A = arith.constant dense<0.000000e+00> : vector<768x1536xf32>
    %dot_general3A_5 = tpu.matmul %get3A_1, %get3A_4, %dot_general3A {dimension_numbers = #tpu.dot_dimension_numbers<[1], [0], [0], [1], [0, 0, 1, 1], [], []>, transpose_lhs_hint = false} : vector<768x768xf32>, vector<768x1536xf32>, vector<768x1536xf32> -> vector<768x1536xf32>
    %get3A_6 = arith.constant 0 : index
    %get3A_7 = vector.load %arg3[%get3A_6] : memref<1536xf32, #tpu.memory_space<vmem>>, vector<1536xf32>
    %broadcast_in_dim3A = vector.shape_cast %get3A_7 : vector<1536xf32> to vector<1x1536xf32>
    %add3A = vector.broadcast %broadcast_in_dim3A : vector<1x1536xf32> to vector<768x1536xf32>
    %add3A_8 = arith.addf %dot_general3A_5, %add3A : vector<768x1536xf32>
    %integer_pow3A = arith.mulf %add3A_8, %add3A_8 : vector<768x1536xf32>
    %integer_pow3A_9 = arith.mulf %add3A_8, %integer_pow3A : vector<768x1536xf32>
    %mul3A = arith.constant 4.471500e-02 : f32
    %mul3A_10 = vector.broadcast %mul3A : f32 to vector<768x1536xf32>
    %mul3A_11 = arith.mulf %mul3A_10, %integer_pow3A_9 : vector<768x1536xf32>
    %add3A_12 = arith.addf %add3A_8, %mul3A_11 : vector<768x1536xf32>
    %mul3A_13 = arith.constant 0.797884583 : f32
    %mul3A_14 = vector.broadcast %mul3A_13 : f32 to vector<768x1536xf32>
    %mul3A_15 = arith.mulf %mul3A_14, %add3A_12 : vector<768x1536xf32>
    %tanh3A = math.tanh %mul3A_15 : vector<768x1536xf32>
    %add3A_16 = arith.constant 1.000000e+00 : f32
    %add3A_17 = vector.broadcast %add3A_16 : f32 to vector<768x1536xf32>
    %add3A_18 = arith.addf %add3A_17, %tanh3A : vector<768x1536xf32>
    %mul3A_19 = arith.constant 5.000000e-01 : f32
    %mul3A_20 = vector.broadcast %mul3A_19 : f32 to vector<768x1536xf32>
    %mul3A_21 = arith.mulf %mul3A_20, %add3A_18 : vector<768x1536xf32>
    %mul3A_22 = arith.mulf %add3A_8, %mul3A_21 : vector<768x1536xf32>
    %get3A_23 = arith.constant 0 : index
    %get3A_24 = arith.constant 0 : index
    %get3A_25 = vector.load %arg4[%get3A_23, %get3A_24] : memref<1536x640xf32, #tpu.memory_space<vmem>>, vector<1536x640xf32>
    %dot_general3A_26 = arith.constant dense<0.000000e+00> : vector<768x640xf32>
    %dot_general3A_27 = tpu.matmul %mul3A_22, %get3A_25, %dot_general3A_26 {dimension_numbers = #tpu.dot_dimension_numbers<[1], [0], [0], [1], [0, 0, 1, 1], [], []>, transpose_lhs_hint = false} : vector<768x1536xf32>, vector<1536x640xf32>, vector<768x640xf32> -> vector<768x640xf32>
    %get3A_28 = arith.constant 0 : index
    %get3A_29 = vector.load %arg5[%get3A_28] : memref<640xf32, #tpu.memory_space<vmem>>, vector<640xf32>
    %broadcast_in_dim3A_30 = vector.shape_cast %get3A_29 : vector<640xf32> to vector<1x640xf32>
    %add3A_31 = vector.broadcast %broadcast_in_dim3A_30 : vector<1x640xf32> to vector<768x640xf32>
    %add3A_32 = arith.addf %dot_general3A_27, %add3A_31 : vector<768x640xf32>
    %get3A_33 = arith.constant 0 : index
    %get3A_34 = arith.constant 0 : index
    %get3A_35 = vector.load %arg6[%get3A_33, %get3A_34] : memref<320x1536xf32, #tpu.memory_space<vmem>>, vector<320x1536xf32>
    %transpose3A = tpu.transpose %get3A_35, [1, 0] : vector<320x1536xf32> -> vector<1536x320xf32>
    %reshape3A = vector.shape_cast %transpose3A : vector<1536x320xf32> to vector<768x2x320xf32>
    %slice3A = vector.extract_strided_slice %add3A_32 {offsets = [0, 0], sizes = [768, 320], strides = [1, 1]} : vector<768x640xf32> to vector<768x320xf32>
    %slice3A_36 = vector.extract_strided_slice %reshape3A {offsets = [0, 0, 0], sizes = [768, 1, 320], strides = [1, 1, 1]} : vector<768x2x320xf32> to vector<768x1x320xf32>
    %squeeze3A = vector.shape_cast %slice3A_36 : vector<768x1x320xf32> to vector<768x320xf32>
    %add3A_37 = arith.addf %slice3A, %squeeze3A : vector<768x320xf32>
    %reduce_max3A = arith.constant dense<0xFF800000> : vector<768xf32>
    %reduce_max3A_38 = vector.multi_reduction <maximumf>, %add3A_37, %reduce_max3A [1] : vector<768x320xf32> to vector<768xf32>
    %broadcast_in_dim3A_39 = vector.shape_cast %reduce_max3A_38 : vector<768xf32> to vector<768x1xf32>
    %iota3A = tpu.iota {dimensions = array<i32: 1>} : vector<768x320xi32>
    %eq3A = vector.broadcast %broadcast_in_dim3A_39 : vector<768x1xf32> to vector<768x320xf32>
    %eq3A_40 = arith.cmpf oeq, %add3A_37, %eq3A : vector<768x320xf32>
    %jit3A = arith.constant 320 : i32
    %broadcast_in_dim3A_41 = vector.broadcast %jit3A : i32 to vector<768x320xi32>
    %select_n3A = arith.select %eq3A_40, %iota3A, %broadcast_in_dim3A_41 : vector<768x320xi1>, vector<768x320xi32>
    %reduce_min3A = arith.constant dense<2147483647> : vector<768xi32>
    %reduce_min3A_42 = vector.multi_reduction <minsi>, %select_n3A, %reduce_min3A [1] : vector<768x320xi32> to vector<768xi32>
    %swap3A = arith.constant 0 : index
    %swap3A_43 = arith.constant 0 : index
    %swap3A_44 = arith.constant 0 : index
    %swap3A_45 = vector.load %arg7[%swap3A, %swap3A_43, %swap3A_44] : memref<1x8x768xi32, #tpu.memory_space<vmem>>, vector<1x1x768xi32>
    %swap3A_46 = vector.shape_cast %swap3A_45 : vector<1x1x768xi32> to vector<768xi32>
    %swap3A_47 = vector.shape_cast %reduce_min3A_42 : vector<768xi32> to vector<1x1x768xi32>
    tpu.vector_store %arg7[%swap3A, %swap3A_43, %swap3A_44], %swap3A_47 {strides = array<i32>} : memref<1x8x768xi32, #tpu.memory_space<vmem>>, vector<1x1x768xi32>,
    %slice3A_48 = vector.extract_strided_slice %add3A_32 {offsets = [0, 320], sizes = [768, 320], strides = [1, 1]} : vector<768x640xf32> to vector<768x320xf32>
    %slice3A_49 = vector.extract_strided_slice %reshape3A {offsets = [0, 1, 0], sizes = [768, 1, 320], strides = [1, 1, 1]} : vector<768x2x320xf32> to vector<768x1x320xf32>
    %squeeze3A_50 = vector.shape_cast %slice3A_49 : vector<768x1x320xf32> to vector<768x320xf32>
    %add3A_51 = arith.addf %slice3A_48, %squeeze3A_50 : vector<768x320xf32>
    %reduce_max3A_52 = arith.constant dense<0xFF800000> : vector<768xf32>
    %reduce_max3A_53 = vector.multi_reduction <maximumf>, %add3A_51, %reduce_max3A_52 [1] : vector<768x320xf32> to vector<768xf32>
    %broadcast_in_dim3A_54 = vector.shape_cast %reduce_max3A_53 : vector<768xf32> to vector<768x1xf32>
    %iota3A_55 = tpu.iota {dimensions = array<i32: 1>} : vector<768x320xi32>
    %eq3A_56 = vector.broadcast %broadcast_in_dim3A_54 : vector<768x1xf32> to vector<768x320xf32>
    %eq3A_57 = arith.cmpf oeq, %add3A_51, %eq3A_56 : vector<768x320xf32>
    %jit3A_58 = arith.constant 320 : i32
    %broadcast_in_dim3A_59 = vector.broadcast %jit3A_58 : i32 to vector<768x320xi32>
    %select_n3A_60 = arith.select %eq3A_57, %iota3A_55, %broadcast_in_dim3A_59 : vector<768x320xi1>, vector<768x320xi32>
    %reduce_min3A_61 = arith.constant dense<2147483647> : vector<768xi32>
    %reduce_min3A_62 = vector.multi_reduction <minsi>, %select_n3A_60, %reduce_min3A_61 [1] : vector<768x320xi32> to vector<768xi32>
    %swap3A_63 = arith.constant 0 : index
    %swap3A_64 = arith.constant 1 : index
    %swap3A_65 = arith.constant 0 : index
    %swap3A_66 = vector.load %arg7[%swap3A_63, %swap3A_64, %swap3A_65] : memref<1x8x768xi32, #tpu.memory_space<vmem>>, vector<1x1x768xi32>
    %swap3A_67 = vector.shape_cast %swap3A_66 : vector<1x1x768xi32> to vector<768xi32>
    %swap3A_68 = vector.shape_cast %reduce_min3A_62 : vector<768xi32> to vector<1x1x768xi32>
    tpu.vector_store %arg7[%swap3A_63, %swap3A_64, %swap3A_65], %swap3A_68 {strides = array<i32>} : memref<1x8x768xi32, #tpu.memory_space<vmem>>, vector<1x1x768xi32>,
    return
  }
  func.func @transform_0(%arg0: i32) -> (i32, i32) {
    %c0_i32 = arith.constant 0 : i32
    %c0_i32_0 = arith.constant 0 : i32
    return %arg0, %c0_i32 : i32, i32
  }
  func.func @transform_1(%arg0: i32) -> (i32, i32) {
    %c0_i32 = arith.constant 0 : i32
    %c0_i32_0 = arith.constant 0 : i32
    %c0_i32_1 = arith.constant 0 : i32
    return %c0_i32, %c0_i32_0 : i32, i32
  }
  func.func @transform_2(%arg0: i32) -> i32 {
    %c0_i32 = arith.constant 0 : i32
    %c0_i32_0 = arith.constant 0 : i32
    return %c0_i32 : i32
  }
  func.func @transform_3(%arg0: i32) -> (i32, i32) {
    %c0_i32 = arith.constant 0 : i32
    %c0_i32_0 = arith.constant 0 : i32
    %c0_i32_1 = arith.constant 0 : i32
    return %c0_i32, %c0_i32_0 : i32, i32
  }
  func.func @transform_4(%arg0: i32) -> i32 {
    %c0_i32 = arith.constant 0 : i32
    %c0_i32_0 = arith.constant 0 : i32
    return %c0_i32 : i32
  }
  func.func @transform_5(%arg0: i32) -> (i32, i32) {
    %c0_i32 = arith.constant 0 : i32
    %c0_i32_0 = arith.constant 0 : i32
    return %c0_i32, %arg0 : i32, i32
  }
  func.func @transform_6(%arg0: i32) -> (i32, i32, i32) {
    %c0_i32 = arith.constant 0 : i32
    %c0_i32_0 = arith.constant 0 : i32
    %c0_i32_1 = arith.constant 0 : i32
    return %arg0, %c0_i32, %c0_i32_0 : i32, i32, i32
  }
}

</mosaic_0001>

<sc_bundles>
// kernel: kernel.4.cloned.1.call-start
scs
__scs_entry_jumppad:
0x0: {  	(pc) =	sbr.rel $0x88, $3  }
0x1: {  	(tag) =	ssettag $0x0;
	lr =	simm.s32 $0x1  }
0x2: {  	[smem:$0x3F9A] =	sst lr;
	_ =	strace $0xD0000000  }
0x3: {  	_ = 	snop  }
0x4: {  	_ = 	snop  }
0x5: {  	_ = 	snop  }
0x6: {  	_ = 	snop  }
0x7: {  	_ = 	snop  }
__scs_overlays_trampoline_lowered:
0x8: {  	[smem:$0x3FA9] =	sst s0  }
0x9: {  	[smem:$0x3FAA] =	sst s1  }
0xa: {  	[smem:$0x3FAB] =	sst s2  }
0xb: {  	[smem:$0x3FAC] =	sst s3  }
0xc: {  	[smem:$0x3FAD] =	sst s4  }
0xd: {  	[smem:$0x3FAE] =	sst s5  }
0xe: {  	[smem:$0x3FAF] =	sst s6  }
0xf: {  	[smem:$0x3FB0] =	sst s7  }
0x10: {  	[smem:$0x3FB1] =	sst s8  }
0x11: {  	[smem:$0x3FB2] =	sst s9;
	s0 =	simm.s32 @!p0 $0x0  }
0x12: {  	s1 =	sld [smem:$0x3F98];
	s0 =	simm.s32 @p0 $0x1  }
0x13: {  	[smem:$0x3FB3] =	sst s0;
	s0 =	simm.s32 @!p1 $0x0  }
0x14: {  	s2 =	sld [smem:$0x3F97];
	s0 =	simm.s32 @p1 $0x1  }
0x15: {  	[smem:$0x3FB4] =	sst s0;
	s0 =	simm.s32 @!p2 $0x0  }
0x16: {  	s3 =	sld [smem:$0x3FDB];
	s0 =	simm.s32 @p2 $0x1  }
0x17: {  	s4 =	simm.s32 $0x1BF5;
	[smem:$0x3FB6] =	sst s0  }
0x18: {  	s0 =	sld [smem:$0x3F99];
	_ =	swait.ge [sflag:s4], $0x0  }
0x19: {  	s7 =	sld [smem:$0x3F9A]  }
0x1a: {  	s8 =	sadd.s32 $0xFFFFE003, lr  }
0x1b: {  	s9 =	sadd.s32 $0xFFFFFEF7, lr;
	s5 =	simm.s32 $0xFFFFFFFF;
	p2 =	slt.u32 s8, $0xFFFFF086  }
0x1c: {  	p1 =	slt.u32 s9, $0xF7A;
	s5 =	simm.s32 @!p2 $0x0  }
0x1d: {  	s5 =	simm.s32 @p1 $0x1;
	p0 =	seq.s32 s7, s2  }
0x1e: {  	s7 =	smul.u32 @!p0 $0xF7A, s2;
	p2 =	seq.s32 @!p0 s5, $0x0  }
0x1f: {  	s9 =	smul.u32 $0xF7A, s1;
	s8 =	simm.s32 @!p0 $0x1BF5;
	p2 =	por !p2, p0  }
0x20: {  	[sflag:s8] =	ssyncset.s32 @!p0 $0xFFFFF086;
	s6 =	sadd.s32 @!p0 s3, s7;
	s7 =	simm.s32 @!p0 $0x108  }
0x21: {  	s3 =	sadd.s32 s3, s9;
	s6 =	sadd.s32 @!p0 $0x88, s6;
	s7 =	simm.s32 @p2 $0x1082  }
0x22: {  	[simem:s7], [sflag:s8] =	dma.local @!p0 [hbm:s6], $0xF7A  }
0x23: {  	s9 =	sor.u32 $0xD0000000, s2;
	s6 =	simm.s32 $0x108;
	_ =	swait.ge @!p0 [sflag:s8], $0x0  }
0x24: {  	s3 =	sadd.s32 $0x88, s3;
	s6 =	simm.s32 @!p1 $0x1082;
	[sflag:s4] =	ssyncset.s32 $0xFFFFF086  }
0x25: {  	[simem:s6], [sflag:s4] =	dma.local [hbm:s3], $0xF7A  }
0x26: {  	[smem:$0x3F9A] =	sst s1;
	(tag) =	ssettag s2;
	_ =	strace s9  }
0x27: {  	s1 =	sld [smem:$0x3FAA]  }
0x28: {  	s2 =	sld [smem:$0x3FAB]  }
0x29: {  	s4 =	sld [smem:$0x3FAD]  }
0x2a: {  	p0 =	seq.s32 s5, $0x0;
	s5 =	sld [smem:$0x3FAE]  }
0x2b: {  	s6 =	sld [smem:$0x3FAF]  }
0x2c: {  	s7 =	sld [smem:$0x3FB0]  }
0x2d: {  	s3 =	simm.s32 $0x108;
	s8 =	sld [smem:$0x3FB1]  }
0x2e: {  	s3 =	simm.s32 @!p0 $0x1082;
	s9 =	sld [smem:$0x3FB2]  }
0x2f: {  	lr =	sadd.s32 s0, s3;
	s0 =	sld [smem:$0x3FA9]  }
0x30: {  	s3 =	sld [smem:$0x3FAC]  }
0x31: {  	[smem:$0x3FB5] =	sst s10  }
0x32: {  	s10 =	sld [smem:$0x3FB3];
	_ =	sdelay $0x3  }
0x33: {  	p0 =	seq.s32 s10, $0x1;
	s10 =	sld [smem:$0x3FB5];
	_ =	sdelay $0x3  }
0x34: {  	[smem:$0x3FB5] =	sst s10  }
0x35: {  	s10 =	sld [smem:$0x3FB4];
	_ =	sdelay $0x3  }
0x36: {  	p1 =	seq.s32 s10, $0x1;
	s10 =	sld [smem:$0x3FB5];
	_ =	sdelay $0x3  }
0x37: {  	[smem:$0x3FB5] =	sst s10  }
0x38: {  	s10 =	sld [smem:$0x3FB6]  }
0x39: {  	_ = 	snop;
	(pc) =	sbr.ind lr, $3  }
0x3a: {  	_ = 	snop  }
0x3b: {  	_ = 	snop  }
0x3c: {  	p2 =	seq.s32 s10, $0x1;
	s10 =	sld [smem:$0x3FB5]  }
0x3d: {  	_ =	shalt  }
0x3e: {  	_ =	shalt  }
0x3f: {  	_ =	shalt  }
0x40: {  	_ =	shalt  }
0x41: {  	_ =	shalt  }
0x42: {  	_ =	shalt  }
0x43: {  	_ =	shalt  }
0x44: {  	_ =	shalt  }
0x45: {  	_ =	shalt  }
0x46: {  	_ =	shalt  }
0x47: {  	_ =	shalt  }
0x48: {  	_ =	shalt  }
0x49: {  	_ =	shalt  }
0x4a: {  	_ =	shalt  }
0x4b: {  	_ =	shalt  }
0x4c: {  	_ =	shalt  }
0x4d: {  	_ =	shalt  }
0x4e: {  	_ =	shalt  }
0x4f: {  	_ =	shalt  }
0x50: {  	_ =	shalt  }
0x51: {  	_ =	shalt  }
0x52: {  	_ =	shalt  }
0x53: {  	_ =	shalt  }
0x54: {  	_ =	shalt  }
0x55: {  	_ =	shalt  }
0x56: {  	_ =	shalt  }
0x57: {  	_ =	shalt  }
0x58: {  	_ =	shalt  }
0x59: {  	_ =	shalt  }
0x5a: {  	_ =	shalt  }
0x5b: {  	_ =	shalt  }
0x5c: {  	_ =	shalt  }
0x5d: {  	_ =	shalt  }
0x5e: {  	_ =	shalt  }
0x5f: {  	_ =	shalt  }
0x60: {  	_ =	shalt  }
0x61: {  	_ =	shalt  }
0x62: {  	_ =	shalt  }
0x63: {  	_ =	shalt  }
0x64: {  	_ =	shalt  }
0x65: {  	_ =	shalt  }
0x66: {  	_ =	shalt  }
0x67: {  	_ =	shalt  }
0x68: {  	_ =	shalt  }
0x69: {  	_ =	shalt  }
0x6a: {  	_ =	shalt  }
0x6b: {  	_ =	shalt  }
0x6c: {  	_ =	shalt  }
0x6d: {  	_ =	shalt  }
0x6e: {  	_ =	shalt  }
0x6f: {  	_ =	shalt  }
0x70: {  	_ =	shalt  }
0x71: {  	_ =	shalt  }
0x72: {  	_ =	shalt  }
0x73: {  	_ =	shalt  }
0x74: {  	_ =	shalt  }
0x75: {  	_ =	shalt  }
0x76: {  	_ =	shalt  }
0x77: {  	_ =	shalt  }
0x78: {  	_ =	shalt  }
0x79: {  	_ =	shalt  }
0x7a: {  	_ =	shalt  }
0x7b: {  	_ =	shalt  }
0x7c: {  	_ =	shalt  }
0x7d: {  	_ =	shalt  }
0x7e: {  	_ =	shalt  }
0x7f: {  	_ =	shalt  }
0x80: {  	_ =	shalt  }
0x81: {  	_ =	shalt  }
0x82: {  	_ =	shalt  }
0x83: {  	_ =	shalt  }
0x84: {  	_ =	shalt  }
0x85: {  	_ =	shalt  }
0x86: {  	_ =	shalt  }
0x87: {  	_ =	shalt  }
.Lfunc_end0:
.L_simem_size_0:
called_computation_lowered:
.L_overlay_start_0:
0x88: {  	s2 =	sld [smem:$0x3FD9]  }
0x89: {  	s3 =	sld [smem:$0x3FFE];
	_ =	sdelay $0x1  }
0x8a: {  	s1 =	srdreg.scid  }
0x8b: {  	s0 =	sand.u32 $0x1, s1  }
0x8c: {  	s17 =	sshll.u32 s0, $0xA;
	s2 =	sadd.s32 s3, s2  }
0x8d: {  	s2 =	sadd.s32 s2, s17  }
0x8e: {  	[smem:$0x3FC1] =	sst s2  }
0x8f: {  	_ = 	snop  }
0x90: {  	s2 =	sld [smem:$0x3FC4]  }
0x91: {  	s18 =	sld [smem:$0x3FD0];
	(tm) =	ssettm $0x1  }
0x92: {  	s4 =	sld [smem:$0x3FFB];
	_ =	sdelay $0x3  }
0x93: {  	_ =	strace s4  }
0x94: {  	s4 =	sld [smem:$0x3FFC];
	_ =	sdelay $0x3  }
0x95: {  	_ =	strace s4  }
0x96: {  	s4 =	sld [smem:$0x3FFD];
	_ =	sdelay $0x3  }
0x97: {  	_ =	strace s4  }
0x98: {  	_ =	strace $0x8FFFFFFF  }
0x99: {  	s19 =	sld [smem:$0x3FDB];
	_ =	sdelay $0x1  }
0x9a: {  	s5 =	simm.s32 $_scs_section_size  }
0x9b: {  	s6 =	simm.s32 $_size__tile_overlayer_lowered;
	s7 =	simm.s32 $_tile_overlayer_lowered  }
0x9c: {  	s22 =	simm.s32 $0x1BFF;
	s21 =	sshll.u32 s7, $0x1;
	s4 =	sadd.s32 s5, s19  }
0x9d: {  	s8 =	simm.s32 $0x0;
	s20 =	sshll.u32 s6, $0x1;
	s6 =	sadd.s32 s21, s4  }
0x9e: {  	[timem:s8], [sflag:s22] =	dma.local [hbm:s6], s20  }
0x9f: {  	_ =	swait.ge [sflag:s22], s20  }
0xa0: {  	s5 =	ssub.s32 $0x0, s20;
	[sflag:s22] =	ssyncset.done $0x0  }
0xa1: {  	[sflag:s22] =	ssyncadd.s32 s5;
	_ =	sdelay $0x1  }
0xa2: {  	s23 =	simm.s32 $0x1B8B  }
0xa3: {  	_ =	swait.ge [sflag:s23], $0x1  }
0xa4: {  	[sflag:s23] =	ssyncset.done $0x0  }
0xa5: {  	s25 =	simm.s32 $0x1B8E;
	s24 =	sld [smem:$0x3FFE];
	[sflag:s23] =	ssyncadd.s32 $0xFFFFFFFF  }
0xa6: {  	s26 =	simm.s32 $execute0_lowered;
	[smem:$0x3FD2] =	sst s25  }
0xa7: {  	s6 =	sshll.u32 s26, $0x1;
	_ =	strace $0x80000046;
	[dreg:$0x1] =	wrdreg $0xFFFFFFFF  }
0xa8: {  	s28 =	simm.s32 $_size_execute0_lowered;
	s4 =	sadd.s32 s4, s6;
	[dreg:$0x0] =	wrdreg $0x0  }
0xa9: {  	s6 =	sshll.u32 s28, $0x1;
	[dreg:$0x2] =	wrdreg s4  }
0xaa: {  	[dreg:$0x3] =	wrdreg s6  }
0xab: {  	[dreg:$0x4] =	wrdreg $0xC0  }
0xac: {  	_ =	task [dreg:s8], $0x5FFFF  }
0xad: {  	[dreg:$0x1] =	wrdreg $0xFFFFFFFF  }
0xae: {  	[dreg:$0x0] =	wrdreg $0x60  }
0xaf: {  	[dreg:$0x2] =	wrdreg s2  }
0xb0: {  	[dreg:$0x3] =	wrdreg s24  }
0xb1: {  	[dreg:$0x4] =	wrdreg s18  }
0xb2: {  	[dreg:$0x5] =	wrdreg $0x9  }
0xb3: {  	_ =	task.clear_ibuf [dreg:s8], $0x6FFFF;
	_ =	strace $0x90000046  }
0xb4: {  	s29 =	simm.s32 $0x9;
	_ =	strace $0x80000048  }
0xb5: {  	_ =	swait.ge [sflag:s29], $0x1  }
0xb6: {  	[sflag:s29] =	ssyncadd.s32 $0xFFFFFFFF  }
0xb7: {  	_ =	strace $0x90000048  }
0xb8: {  	_ =	sfence  }
0xb9: {  	s30 =	sld [smem:$0x0];
	_ =	sdelay $0x2  }
0xba: {  	s31 =	sshll.u32 s1, $0xD;
	s1 =	sshrl.u32 s1, $0x2  }
0xbb: {  	s3 =	sand.u32 $0x4000, s31;
	s1 =	sadd.s32 s1, s30  }
0xbc: {  	s0 =	sor.u32 s3, s0;
	s1 =	sshll.u32 s1, $0x11  }
0xbd: {  	s0 =	sor.u32 s1, s0  }
0xbe: {  	s0 =	sadd.s32 $0x8F2B, s0  }
0xbf: {  	[sflag:s0] =	ssyncadd.remote.s32 $0x1  }
0xc0: {  	_ =	sfence.sel $0xFFFF  }
0xc1: {  	[dreg:$0x0] =	wrdreg $0xFFFFFFFF;
	(pc) =	sbr.abs _section_cstart, $3  }
0xc2: {  	[dreg:$0x1] =	wrdreg $0xFFFFFFFF  }
0xc3: {  	_ =	task.clear_ibuf [dreg:s8], $0x2FFFF;
	_ =	strace $0x9FFFFFFF  }
0xc4: {  	(tm) =	ssettm $0x7FFFFFFF  }
0xc5: {  	_ =	shalt  }
tec
execute0_lowered:
.L_overlay_start_1:
0x0: {  	(tag) =	ssettag $0x1  }
0x1: {  	s1 =	srdreg.scid;
	s0 =	stileid.u32  }
0x2: {  	s4 =	sand.u32 $0x1, s1;
	s29 =	sshll.u32 s0, $0x1  }
0x3: {  	s2 =	rddreg [dreg:$0x0];
	s5 =	sor.u32 s4, s29  }
0x4: {  	s6 =	rddreg [dreg:$0x1];
	s1 =	smul.u32 $0xAAAB, s5  }
0x5: {  	s8 =	rddreg [dreg:$0x2]  }
0x6: {  	s3 =	simm.s32 $0x0;
	s12 =	simm.s32 $0x40;
	s7 =	sshrl.u32 s1, $0x13  }
0x7: {  	s13 =	simm.s32 $0x80;
	s14 =	simm.s32 $0x100;
	s9 =	smul.u32 $0x7FFFF4, s7  }
0x8: {  	s15 =	simm.s32 $0x1;
	[smem:$0x7FF] =	sst s3;
	s6 =	sadd.s32 $0x1200, s6  }
0x9: {  	s30 =	sshll.u32 s0, $0xA;
	p0 =	sgt.u32 s0, $0x1;
	s9 =	sadd.s32 s5, s9  }
0xa: {  	s10 =	ssub.s32 $0x2, s4;
	s7 =	smul.u32 $0x1800, s7;
	s9 =	sshll.u32 s9, $0x9  }
0xb: {  	s4 =	sshll.u32 s4, $0x6;
	s11 =	sshrl.u32 s10, $0x1;
	s9 =	sand.u32 $0xFFFFFC00, s9  }
0xc: {  	s31 =	sshll.u32 s5, $0xB;
	s10 =	ssub.s32 s10, s11;
	s7 =	sadd.s32 s7, s9  }
0xd: {  	s11 =	simm.s32 $0x2;
	s1 =	rddreg [dreg:$0x3];
	s7 =	sor.u32 s4, s7  }
0xe: {  	_ =	strace $0x80000047;
	s4 =	sor.u32 s4, s30;
	s7 =	sshrl.u32 s7, $0x3  }
0xf: {  	s10 =	smax.u32 s10, $0x1;
	s9 =	sshrl.u32 s4, $0x3;
	s4 =	sadd.s32 s6, s7  }
0x10: {  	s9 =	sadd.s32 s9, s6;
	s6 =	sadd.s32 s8, s31;
	s5 =	sadd.s32 $0x10, s4  }
0x11: {  	vm0 =	vmmov $0xff;
	vm1 =	vmmov @!p0 $0xff;
	s7 =	sadd.s32 $0x800, s9;
	s8 =	sadd.s32 $0x810, s9;
	s9 =	sadd.s32 $0x10000, s6  }
.LBB2_1:
0x12: {  	[tilespmem:s3], [sflag:$0x2] =	stream.linear.gather [hbm4b:s4+s3], $0x40, $0x38;
	[tilespmem:$0x4100] =	vst v63  }
0x13: {  	_ =	swait.ge [sflag:s11], $0x40  }
0x14: {  	[sflag:s11] =	ssyncset.done $0x0  }
0x15: {  	[sflag:s11] =	ssyncadd.s32 $0xFFFFFFC0  }
0x16: {  	[tilespmem:s12], [sflag:$0x2] =	stream.linear.gather [hbm4b:s5+s3], $0x40, $0x38;
	[tilespmem:$0x4100] =	vst v63  }
0x17: {  	_ =	swait.ge [sflag:s11], $0x40  }
0x18: {  	[sflag:s11] =	ssyncset.done $0x0  }
0x19: {  	[sflag:s11] =	ssyncadd.s32 $0xFFFFFFC0  }
0x1a: {  	v0 =	vld [tilespmem:$0x0]  }
0x1b: {  	v1 =	vld [tilespmem:$0x38]  }
0x1c: {  	v2 =	vld [tilespmem:$0x8]  }
0x1d: {  	v3 =	vld [tilespmem:$0x40]  }
0x1e: {  	v4 =	vld [tilespmem:$0x10]  }
0x1f: {  	v5 =	vld [tilespmem:$0x48]  }
0x20: {  	v6 =	vld [tilespmem:$0x18]  }
0x21: {  	v7 =	vld [tilespmem:$0x50]  }
0x22: {  	v8 =	vld [tilespmem:$0x20]  }
0x23: {  	v9 =	vld [tilespmem:$0x58]  }
0x24: {  	v10 =	vld [tilespmem:$0x28]  }
0x25: {  	v11 =	vld [tilespmem:$0x60]  }
0x26: {  	v12 =	vld [tilespmem:$0x30]  }
0x27: {  	v54 =	vld [tilespmem:$0x68];
	v0 =	vsel vm0, v0, v1  }
0x28: {  	v56 =	vld [tilespmem:$0x38];
	v55 =	vsel vm0, v2, v3;
	[tilespmem:$0x80] =	vst v0  }
0x29: {  	v58 =	vld [tilespmem:$0x70];
	v57 =	vsel vm0, v4, v5;
	[tilespmem:$0x90] =	vst v55  }
0x2a: {  	v59 =	vsel vm0, v6, v7;
	[tilespmem:$0xA0] =	vst v57  }
0x2b: {  	v60 =	vsel vm0, v8, v9;
	[tilespmem:$0xB0] =	vst v59  }
0x2c: {  	v61 =	vsel vm0, v10, v11;
	[tilespmem:$0xC0] =	vst v60  }
0x2d: {  	v62 =	vsel vm0, v12, v54;
	[tilespmem:$0xD0] =	vst v61  }
0x2e: {  	v63 =	vsel vm0, v56, v58;
	[tilespmem:$0xE0] =	vst v62  }
0x2f: {  	[tilespmem:$0xF0] =	vst v63  }
0x30: {  	[tilespmem:s14], [sflag:$0x1] =	stream.indirect.gather [hbm4b:s2+s13], $0x80, s13, s13, $0xb8;
	[tilespmem:$0x4100] =	vst v63  }
0x31: {  	_ =	swait.ge [sflag:s15], $0x4000  }
0x32: {  	[sflag:s15] =	ssyncset.done $0x0  }
0x33: {  	[sflag:s15] =	ssyncadd.s32 $0xFFFFC000  }
0x34: {  	[hbm4b:s6+s3] =	stream.linear.scatter [tilespmem:s14], [sflag:$0x2], $0x4000, $0x38;
	[tilespmem:$0x4100] =	vst v63  }
0x35: {  	_ =	swait.ge [sflag:s11], $0x4000  }
0x36: {  	[sflag:s11] =	ssyncset.done $0x0  }
0x37: {  	s16 =	simm.s32 @!p0 $0x0;
	s17 =	simm.s32 @!p0 $0x2;
	[sflag:s11] =	ssyncadd.s32 $0xFFFFC000  }
0x38: {  	[tilespmem:s16], [sflag:$0x2] =	stream.linear.gather @!p0 [hbm4b:s7+s16], $0x40, $0x38;
	[tilespmem:$0x4100] =	vst v63  }
0x39: {  	_ =	swait.ge @!p0 [sflag:s17], $0x40  }
0x3a: {  	[sflag:s17] =	ssyncset.done @!p0 $0x0  }
0x3b: {  	s18 =	simm.s32 @!p0 $0x40;
	[sflag:s17] =	ssyncadd.s32 @!p0 $0xFFFFFFC0  }
0x3c: {  	[tilespmem:s18], [sflag:$0x2] =	stream.linear.gather @!p0 [hbm4b:s8+s16], $0x40, $0x38;
	[tilespmem:$0x4100] =	vst v63  }
0x3d: {  	_ =	swait.ge @!p0 [sflag:s17], $0x40  }
0x3e: {  	[sflag:s17] =	ssyncset.done @!p0 $0x0  }
0x3f: {  	[sflag:s17] =	ssyncadd.s32 @!p0 $0xFFFFFFC0  }
0x40: {  	v0 =	vld @!p0 [tilespmem:$0x0]  }
0x41: {  	v1 =	vld @!p0 [tilespmem:$0x38]  }
0x42: {  	v2 =	vld @!p0 [tilespmem:$0x8]  }
0x43: {  	v3 =	vld @!p0 [tilespmem:$0x40]  }
0x44: {  	v4 =	vld @!p0 [tilespmem:$0x10]  }
0x45: {  	v5 =	vld @!p0 [tilespmem:$0x48]  }
0x46: {  	v6 =	vld @!p0 [tilespmem:$0x18]  }
0x47: {  	v7 =	vld @!p0 [tilespmem:$0x50]  }
0x48: {  	v8 =	vld @!p0 [tilespmem:$0x20]  }
0x49: {  	v9 =	vld @!p0 [tilespmem:$0x58]  }
0x4a: {  	v10 =	vld @!p0 [tilespmem:$0x28]  }
0x4b: {  	v11 =	vld @!p0 [tilespmem:$0x60]  }
0x4c: {  	v12 =	vld @!p0 [tilespmem:$0x30]  }
0x4d: {  	v0 =	vsel @!p0 vm1, v0, v1;
	v1 =	vld @!p0 [tilespmem:$0x68]  }
0x4e: {  	[tilespmem:$0x80] =	vst @!p0 v0;
	v0 =	vsel @!p0 vm1, v2, v3;
	v2 =	vld @!p0 [tilespmem:$0x38]  }
0x4f: {  	v3 =	vld @!p0 [tilespmem:$0x70];
	[tilespmem:$0x90] =	vst @!p0 v0;
	v0 =	vsel @!p0 vm1, v4, v5  }
0x50: {  	[tilespmem:$0xA0] =	vst @!p0 v0;
	v0 =	vsel @!p0 vm1, v6, v7  }
0x51: {  	[tilespmem:$0xB0] =	vst @!p0 v0;
	v0 =	vsel @!p0 vm1, v8, v9  }
0x52: {  	[tilespmem:$0xC0] =	vst @!p0 v0;
	v0 =	vsel @!p0 vm1, v10, v11  }
0x53: {  	[tilespmem:$0xD0] =	vst @!p0 v0;
	v0 =	vsel @!p0 vm1, v12, v1  }
0x54: {  	[tilespmem:$0xE0] =	vst @!p0 v0;
	v0 =	vsel @!p0 vm1, v2, v3  }
0x55: {  	s19 =	simm.s32 @!p0 $0x100;
	s18 =	simm.s32 @!p0 $0x80;
	[tilespmem:$0xF0] =	vst @!p0 v0  }
0x56: {  	[tilespmem:s19], [sflag:$0x1] =	stream.indirect.gather @!p0 [hbm4b:s2+s18], $0x80, s18, s18, $0xb8;
	[tilespmem:$0x4100] =	vst v63  }
0x57: {  	s18 =	simm.s32 @!p0 $0x1  }
0x58: {  	s10 =	sadd.s32 $0xFFFFFFFF, s10;
	_ =	swait.ge @!p0 [sflag:s18], $0x4000  }
0x59: {  	p1 =	sne.s32 s10, $0x0;
	[sflag:s18] =	ssyncset.done @!p0 $0x0  }
.Ltmp0:
0x5a: {  	[sflag:s18] =	ssyncadd.s32 @!p0 $0xFFFFC000;
	(pc) =	sbr.rel @p1 .LBB2_1-.Ltmp0, $4  }
0x5b: {  	[hbm4b:s9+s16] =	stream.linear.scatter @!p0 [tilespmem:s19], [sflag:$0x2], $0x4000, $0x38;
	[tilespmem:$0x4100] =	vst v63  }
0x5c: {  	_ =	swait.ge @!p0 [sflag:s17], $0x4000  }
0x5d: {  	[sflag:s17] =	ssyncset.done @!p0 $0x0  }
0x5e: {  	[sflag:s17] =	ssyncadd.s32 @!p0 $0xFFFFC000  }
0x5f: {  	_ =	sfence.sel $0x180000  }
0x60: {  	[bflag:$0x0] =	sbarrier.arrive $0xFFFF  }
0x61: {  	p0 =	sne.s32 s0, $0x0;
	_ =	strace $0x90000047  }
0x62: {  	s0 =	sadd.s32 @!p0 $0x100000, s1;
	[bflag:$0x2] =	sbarrier.arrive $0xFFFF  }
0x63: {  	[sflag:s0] =	ssyncadd.tile.s32 @!p0 $0x1;
	_ =	shalt  }
.Lfunc_end2:
_tile_overlayer_lowered:
.L_overlay_start_2:
0x64: {  	(tag) =	ssettag $0x2  }
0x65: {  	s0 =	rddreg [dreg:$0x0];
	s2 =	stileid.u32  }
0x66: {  	s1 =	rddreg [dreg:$0x1];
	p0 =	sne.s32 s2, $0x0  }
0x67: {  	s3 =	rddreg [dreg:$0x2];
	[bflag:$0x3] =	sbarrier.arrive $0xFFFF;
	s2 =	simm.s32 @!p0 $0x1C02  }
0x68: {  	[timem:s3], [sflag:s2] =	dma.local @!p0 [hbm:s0], s1  }
0x69: {  	s0 =	simm.s32 @!p0 $0x2  }
0x6a: {  	_ =	swait.ge @!p0 [sflag:s0], s1  }
0x6b: {  	s1 =	ssub.s32 @!p0 $0x0, s1;
	[sflag:s0] =	ssyncset.done @!p0 $0x0  }
0x6c: {  	[sflag:s0] =	ssyncadd.s32 @!p0 s1  }
0x6d: {  	[bflag:$0x3] =	sbarrier.arrive $0xFFFF  }
0x6e: {  	_ =	shalt  }

</sc_bundles>
